<compile_context>
chip_gen: v7x
topology: tpu7x:2x2x1
jax: 0.10.2.dev20260603
libtpu: 0.0.44.dev20260713+nightly
codegen_flags: <defaults>
</compile_context>

<pallas_src>
import functools

import jax
import jax.numpy as jnp
from jax import lax
from jax.experimental import pallas as pl
from jax.experimental.pallas import tpu as pltpu
from jax.experimental.pallas import tpu_sc as plsc

_N = 10000
_P = 512
_C = 256
_A = 128
_NP = _N + _P
_RPAD = 10752
_B1 = 512
_B4 = 1024
_N4 = 10240
_ACC = 10624
_E = 160000
_EP = 163840
_NCH = 80
_NW = 5
_WCH = 16
_ZCH = 83

_f32 = jnp.float32


def _ln(t, g, b):
    m = jnp.mean(t, axis=-1, keepdims=True)
    v = jnp.mean((t - m) ** 2, axis=-1, keepdims=True)
    return (t - m) / jnp.sqrt(v + 1e-5) * g + b


def _elu(t):
    return jnp.where(t > 0, t, jnp.exp(t) - 1.0)


def _k1_body(x_ref, vnp_ref, vbp_ref, w1t_ref, b1_ref, lg_ref, lb_ref,
             hl_ref, hr_ref):
    base = pl.program_id(0) * _B1
    o = pl.multiple_of(jnp.clip(base - _N + _P, 0, 2 * _P), 16)
    rowid = base + lax.broadcasted_iota(jnp.int32, (_B1, 1), 0)
    vn = vnp_ref[pl.ds(o, _B1), :]
    xin = jnp.where(rowid >= _N, vn, x_ref[...])
    t = jnp.dot(xin, w1t_ref[...], preferred_element_type=_f32) + b1_ref[...]
    h = _elu(_ln(t, lg_ref[...], lb_ref[...])) + vbp_ref[pl.ds(o, _B1), :]
    hl_ref[...] = h[:, :128]
    hr_ref[...] = h[:, 128:]


def _k1b_body(hl_ref, hr_ref, wet_ref, be_ref, he_ref):
    h = jnp.concatenate([hl_ref[...], hr_ref[...]], 1)
    he_ref[...] = jnp.dot(h, wet_ref[...], preferred_element_type=_f32) + be_ref[...]


def _k3b_body(hev_ref, al_ref, ar_ref, lg2_ref, lb2_ref, wdt_ref, bd_ref, ab_ref,
              vb_ref, wbt_ref, wat_ref, ba_ref, wot_ref, bo_ref,
              d_ref, g_ref, reps_ref):
    zv = _elu(_ln(hev_ref[...] + jnp.concatenate([al_ref[...], ar_ref[...]], 1),
                  lg2_ref[...], lb2_ref[...]))
    d_ref[...] = jnp.dot(zv, wdt_ref[...], preferred_element_type=_f32) + bd_ref[...] + ab_ref[...]
    zv2 = zv + vb_ref[...]
    g = jnp.dot(zv2, wbt_ref[...], preferred_element_type=_f32)
    g_ref[...] = g
    u = _elu(_ln(jnp.dot(zv2, wat_ref[...], preferred_element_type=_f32) + g + ba_ref[...],
                 lg2_ref[...], lb2_ref[...]))
    reps_ref[...] = jnp.dot(u, wot_ref[...], preferred_element_type=_f32) + bo_ref[...]


def _k4_body(he_ref, al_ref, ar_ref, lg2_ref, lb2_ref, wst_ref, bs_ref, d_ref,
             g_ref, wat_ref, ba_ref, wot_ref, bo_ref, y_ref, ci_ref):
    z = _elu(_ln(he_ref[...] + jnp.concatenate([al_ref[...], ar_ref[...]], 1),
                 lg2_ref[...], lb2_ref[...]))
    s = jnp.dot(z, wst_ref[...], preferred_element_type=_f32) + bs_ref[...]
    alpha = lax.dot_general(s, d_ref[...], (((1,), (1,)), ((), ())),
                            preferred_element_type=_f32)
    mx = jnp.max(alpha, axis=1, keepdims=True)
    col = lax.broadcasted_iota(jnp.int32, alpha.shape, 1)
    cidx = jnp.min(jnp.where(alpha >= mx, col, _P), axis=1, keepdims=True)
    oh = (col == cidx).astype(_f32)
    sel = jnp.dot(oh, g_ref[...], preferred_element_type=_f32)
    u = _elu(_ln(jnp.dot(z, wat_ref[...], preferred_element_type=_f32) + sel + ba_ref[...],
                 lg2_ref[...], lb2_ref[...]))
    y_ref[...] = jnp.dot(u, wot_ref[...], preferred_element_type=_f32) + bo_ref[...]
    ci_ref[...] = jnp.broadcast_to(cidx, (cidx.shape[0], 128))


def _full(shape):
    return pl.BlockSpec(shape, lambda i: (0, 0))


_sc_mesh = plsc.VectorSubcoreMesh(
    core_axis_name="c", subcore_axis_name="s", num_cores=2, num_subcores=16)


@functools.partial(
    pl.kernel,
    out_type=[
        jax.ShapeDtypeStruct((_ACC, 128), _f32),
        jax.ShapeDtypeStruct((_ACC, 128), _f32),
    ],
    mesh=_sc_mesh,
    scratch_types=[
        pltpu.VMEM((_WCH, 128), jnp.int32),
        pltpu.VMEM((_WCH, 128), jnp.int32),
        pltpu.VMEM((128, 128), _f32),
        pltpu.VMEM((128, 128), _f32),
        pltpu.VMEM_SHARED((_ACC, 128), _f32),
        pltpu.SemaphoreType.DMA,
        pltpu.SemaphoreType.DMA,
        pltpu.SemaphoreType.DMA,
        pltpu.SemaphoreType.DMA,
    ],
)
def _k2(hl_ref, hr_ref, src_ref, dst_ref, zeros_ref, out0_ref, out1_ref,
        src_v, dst_v, rows0, rows1, acc, sem_g0, sem_g1, sem_s0, sem_s1):
    c = lax.axis_index("c")
    s = lax.axis_index("s")

    pltpu.sync_copy(zeros_ref, rows0)

    def zbody(j, carry):
        k = j * 16 + s

        @pl.when(k < _ZCH)
        def _():
            pltpu.sync_copy(rows0, acc.at[pl.ds(k * 128, 128)])
        return carry

    lax.fori_loop(0, 6, zbody, 0)
    plsc.subcore_barrier()

    def _edge_loop(h_ref):
        def window(w, carry):
            base = s * _NCH + w * _WCH
            pltpu.sync_copy(src_ref.at[pl.ds(base, _WCH)], src_v)
            pltpu.sync_copy(dst_ref.at[pl.ds(base, _WCH)], dst_v)
            pltpu.async_copy(h_ref.at[src_v.at[0]], rows0, sem_g0)

            def pair(i, carry2):
                j0 = 2 * i
                j1 = j0 + 1
                pltpu.async_copy(h_ref.at[src_v.at[j1]], rows1, sem_g1)
                pltpu.make_async_copy(h_ref.at[src_v.at[j0]], rows0, sem_g0).wait()
                pltpu.sync_copy(rows0, acc.at[dst_v.at[j0]], add=True)

                @pl.when(j1 + 1 < _WCH)
                def _():
                    pltpu.async_copy(h_ref.at[src_v.at[j1 + 1]], rows0, sem_g0)

                pltpu.make_async_copy(h_ref.at[src_v.at[j1]], rows1, sem_g1).wait()
                pltpu.sync_copy(rows1, acc.at[dst_v.at[j1]], add=True)
                return carry2

            lax.fori_loop(0, _WCH // 2, pair, 0)
            return carry

        lax.fori_loop(0, _NW, window, 0)

    @pl.when(c == 0)
    def _():
        _edge_loop(hl_ref)

    @pl.when(c == 1)
    def _():
        _edge_loop(hr_ref)

    plsc.subcore_barrier()

    def wbody(j, carry):
        k = j * 16 + s

        @pl.when(k < _ZCH)
        def _():
            pltpu.sync_copy(acc.at[pl.ds(k * 128, 128)], rows0)

            @pl.when(c == 0)
            def _():
                pltpu.sync_copy(rows0, out0_ref.at[pl.ds(k * 128, 128)])

            @pl.when(c == 1)
            def _():
                pltpu.sync_copy(rows0, out1_ref.at[pl.ds(k * 128, 128)])
        return carry

    lax.fori_loop(0, 6, wbody, 0)


def kernel(x, adjs, mapping, edge_mask, params):
    p = params

    vnp = jnp.pad(p['vnode_embed'], ((_P, _P), (0, 0)))
    vbp = jnp.pad(p['vb_hid'], ((_P, _P), (0, 0)))
    w1t = p['W_in2hid'].T
    wet = p['W_enc'].T
    b1 = p['b_in2hid'][None]
    be = p['b_enc'][None]
    lg = p['ln_hid_g'][None]
    lb = p['ln_hid_b'][None]
    lg2 = p['ln_enc_g'][None]
    lb2 = p['ln_enc_b'][None]
    wst = jnp.pad(p['Ws'].T, ((0, 0), (0, _A - 64)))
    bs = jnp.pad(p['bs'][None], ((0, 0), (0, _A - 64)))
    wdt = jnp.pad(p['Wd'].T, ((0, 0), (0, _A - 64)))
    bd = jnp.pad(p['bd'][None], ((0, 0), (0, _A - 64)))
    ab = jnp.pad(p['attn_bias'], ((0, 0), (0, _A - 64)))
    wat = p['W_aggr'][:, :_C].T
    wbt = p['W_aggr'][:, _C:].T
    ba = p['b_aggr'][None]
    wot = p['W_out'].T
    bo = p['b_out'][None]

    nb1 = pl.cdiv(_NP, _B1)
    hl, hr = pl.pallas_call(
        _k1_body,
        grid=(nb1,),
        in_specs=[
            pl.BlockSpec((_B1, _C), lambda i: (i, 0)),
            _full((3 * _P, _C)), _full((3 * _P, _C)),
            _full((_C, _C)), _full((1, _C)), _full((1, _C)), _full((1, _C)),
        ],
        out_specs=[
            pl.BlockSpec((_B1, 128), lambda i: (i, 0)),
            pl.BlockSpec((_B1, 128), lambda i: (i, 0)),
        ],
        out_shape=[
            jax.ShapeDtypeStruct((_NP, 128), _f32),
            jax.ShapeDtypeStruct((_NP, 128), _f32),
        ],
    )(x, vnp, vbp, w1t, b1, lg, lb)

    srcm = jnp.pad(adjs[0, 0], (0, _EP - _E)).reshape(-1, 128)
    dstm = jnp.pad(jnp.where(edge_mask, adjs[0, 1], _NP), (0, _EP - _E),
                   constant_values=_NP).reshape(-1, 128)
    zeros = jnp.zeros((128, 128), _f32)
    al_full, ar_full = _k2(hl, hr, srcm, dstm, zeros)

    he = pl.pallas_call(
        _k1b_body,
        grid=(nb1,),
        in_specs=[
            pl.BlockSpec((_B1, 128), lambda i: (i, 0)),
            pl.BlockSpec((_B1, 128), lambda i: (i, 0)),
            _full((_C, _C)), _full((1, _C)),
        ],
        out_specs=pl.BlockSpec((_B1, _C), lambda i: (i, 0)),
        out_shape=jax.ShapeDtypeStruct((_NP, _C), _f32),
    )(hl, hr, wet, be)

    d, g, reps = pl.pallas_call(
        _k3b_body,
        grid=(1,),
        in_specs=[
            _full((_P, _C)), _full((_P, 128)), _full((_P, 128)),
            _full((1, _C)), _full((1, _C)),
            _full((_C, _A)), _full((1, _A)), _full((_P, _A)),
            _full((_P, _C)), _full((_C, _C)), _full((_C, _C)), _full((1, _C)),
            _full((_C, _C)), _full((1, _C)),
        ],
        out_specs=[_full((_P, _A)), _full((_P, _C)), _full((_P, _C))],
        out_shape=[
            jax.ShapeDtypeStruct((_P, _A), _f32),
            jax.ShapeDtypeStruct((_P, _C), _f32),
            jax.ShapeDtypeStruct((_P, _C), _f32),
        ],
    )(he[_N:_NP], al_full[_N:_NP], ar_full[_N:_NP], lg2, lb2, wdt, bd, ab,
      p['vb_dcd'], wbt, wat, ba, wot, bo)

    nb4 = pl.cdiv(_N, _B4)
    y, ci = pl.pallas_call(
        _k4_body,
        grid=(nb4,),
        in_specs=[
            pl.BlockSpec((_B4, _C), lambda i: (i, 0)),
            pl.BlockSpec((_B4, 128), lambda i: (i, 0)),
            pl.BlockSpec((_B4, 128), lambda i: (i, 0)),
            _full((1, _C)), _full((1, _C)),
            _full((_C, _A)), _full((1, _A)),
            _full((_P, _A)), _full((_P, _C)),
            _full((_C, _C)), _full((1, _C)), _full((_C, _C)), _full((1, _C)),
        ],
        out_specs=[
            pl.BlockSpec((_B4, _C), lambda i: (i, 0)),
            pl.BlockSpec((_B4, 128), lambda i: (i, 0)),
        ],
        out_shape=[
            jax.ShapeDtypeStruct((_N, _C), _f32),
            jax.ShapeDtypeStruct((_N, 128), jnp.int32),
        ],
    )(he, al_full, ar_full, lg2, lb2, wst, bs, d, g,
      wat, ba, wot, bo)

    cluster_mapping = ci[:, 0]
    loss = jnp.float32(0.0)
    return y, loss, reps, cluster_mapping

# --- scband reference (transcript-rebuilt; emitter-appended) ---
"""Pipeline reference for scband-clusteror-30889404793414 (READ-ONLY COPY).

The authoritative reference and input builder live on the scoring server;
editing this copy changes nothing except your own understanding.
"""

import jax, jax.numpy as jnp
import numpy as np

N = 10000
P = 512
IN_C = 256
HID = 256
DEC = 256
ATTN_C = 64
OUT_C = 256
E = 160000


def _glorot(key, shape):
    fan_in = shape[-1]
    return jax.random.normal(key, shape, dtype=jnp.float32) / np.sqrt(fan_in)


def _ln(x, g, b):
    m = x.mean(-1, keepdims=True)
    v = ((x - m) ** 2).mean(-1, keepdims=True)
    return (x - m) / jnp.sqrt(v + 1e-5) * g + b


def setup_inputs(seed: int = 0) -> dict:
    key = jax.random.key(seed)
    ks = jax.random.split(key, 24)
    x = jax.random.normal(ks[0], (N + P, IN_C), dtype=jnp.float32)
    adjs = jax.random.randint(ks[1], (1, 2, E), 0, N + P, dtype=jnp.int32)
    mapping = jnp.arange(N, dtype=jnp.int32)
    edge_mask = jnp.ones((E,), dtype=bool)
    params = {
        'W_in2hid': _glorot(ks[2], (HID, IN_C)),
        'b_in2hid': jnp.zeros((HID,), jnp.float32),
        'ln_hid_g': jnp.ones((HID,), jnp.float32),
        'ln_hid_b': jnp.zeros((HID,), jnp.float32),
        'W_enc': _glorot(ks[3], (HID, HID)),
        'b_enc': jnp.zeros((HID,), jnp.float32),
        'ln_enc_g': jnp.ones((DEC,), jnp.float32),
        'ln_enc_b': jnp.zeros((DEC,), jnp.float32),
        'Ws': _glorot(ks[4], (ATTN_C, DEC)),
        'bs': jnp.zeros((ATTN_C,), jnp.float32),
        'Wd': _glorot(ks[5], (ATTN_C, DEC)),
        'bd': jnp.zeros((ATTN_C,), jnp.float32),
        'attn_bias': _glorot(ks[6], (P, ATTN_C)),
        'W_aggr': _glorot(ks[7], (DEC, 2 * DEC)),
        'b_aggr': jnp.zeros((DEC,), jnp.float32),
        'W_out': _glorot(ks[8], (OUT_C, DEC)),
        'b_out': jnp.zeros((OUT_C,), jnp.float32),
        'vnode_embed': jax.random.normal(ks[9], (P, IN_C), dtype=jnp.float32),
        'vb_hid': 0.1 * jax.random.normal(ks[10], (P, HID), dtype=jnp.float32),
        'vb_dcd': 0.1 * jax.random.normal(ks[11], (P, DEC), dtype=jnp.float32),
    }
    return {'x': x, 'adjs': adjs, 'mapping': mapping, 'edge_mask': edge_mask, 'params': params}


def _forward(x, params, edge_index, edge_mask):
    p = params
    # overwrite virtual-node slots with learned codebook embeddings
    x = x.at[-P:].set(p['vnode_embed'])
    x = jax.nn.elu(_ln(x @ p['W_in2hid'].T + p['b_in2hid'], p['ln_hid_g'], p['ln_hid_b']))
    x = x.at[-P:].add(p['vb_hid'])
    # simple GNN encoder: linear + masked scatter-add neighbor aggregation
    src, dst = edge_index[0], edge_index[1]
    msg = x[src] * edge_mask[:, None].astype(x.dtype)
    aggr = jax.ops.segment_sum(msg, dst, num_segments=N + P)
    x = x @ p['W_enc'].T + p['b_enc'] + aggr
    loss = jnp.float32(0.0)
    x = jax.nn.elu(_ln(x, p['ln_enc_g'], p['ln_enc_b']))
    # cluster attention (codebook assignment)
    x_src = (x[:-P] @ p['Ws'].T + p['bs']).reshape(1, N, ATTN_C)
    x_dst = (x[-P:] @ p['Wd'].T + p['bd']).reshape(1, P, ATTN_C) + p['attn_bias'].reshape(1, P, ATTN_C)
    alpha = jnp.matmul(x_src, jnp.swapaxes(x_dst, -2, -1))
    alpha = jax.nn.leaky_relu(alpha, negative_slope=0.2).mean(0)
    alpha = jax.nn.softmax(alpha, axis=1)
    cluster_idx = jnp.argmax(alpha, axis=1)
    cluster_idx = jnp.concatenate([cluster_idx, jnp.arange(P, dtype=cluster_idx.dtype)])
    cluster_idx_ = cluster_idx + N
    x = x.at[-P:].add(p['vb_dcd'])
    x = jnp.concatenate([x, x[cluster_idx_]], axis=1)
    x = jax.nn.elu(_ln(x @ p['W_aggr'].T + p['b_aggr'], p['ln_enc_g'], p['ln_enc_b']))
    x = x @ p['W_out'].T + p['b_out']
    out = x[:-P]
    cluster_reps = x[-P:]
    cluster_mapping = cluster_idx[:-P]
    return out, loss, cluster_reps, cluster_mapping


def reference(x, adjs, mapping, edge_mask, params):
    edge_index = adjs[0]
    out, loss, cluster_reps, cluster_mapping = _forward(x, params, edge_index, edge_mask)
    return out, loss, cluster_reps, cluster_mapping

if __name__ == "__main__":
    import jax
    _d = setup_inputs()
    print(jax.jit(kernel)(*tuple(_d.values())))

</pallas_src>

<mosaic_0001>
#map = affine_map<(d0, d1) -> (0, 0)>
module attributes {stable_mosaic.version = 14 : i64} {
  func.func @_k2(%arg0: i32, %arg1: i32, %arg2: memref<10512x128xf32, #tpu.memory_space<hbm>>, %arg3: memref<10512x128xf32, #tpu.memory_space<hbm>>, %arg4: memref<1280x128xi32, #tpu.memory_space<hbm>>, %arg5: memref<1280x128xi32, #tpu.memory_space<hbm>>, %arg6: memref<128x128xf32, #tpu.memory_space<hbm>>, %arg7: memref<10624x128xf32, #tpu.memory_space<hbm>>, %arg8: memref<10624x128xf32, #tpu.memory_space<hbm>>, %arg9: memref<16x128xi32, #tpu.memory_space<vmem>>, %arg10: memref<16x128xi32, #tpu.memory_space<vmem>>, %arg11: memref<128x128xf32, #tpu.memory_space<vmem>>, %arg12: memref<128x128xf32, #tpu.memory_space<vmem>>, %arg13: memref<10624x128xf32, #tpu.memory_space<vmem_shared>>, %arg14: memref<!tpu.dma_semaphore, #tpu.memory_space<semaphore_mem>>, %arg15: memref<!tpu.dma_semaphore, #tpu.memory_space<semaphore_mem>>, %arg16: memref<!tpu.dma_semaphore, #tpu.memory_space<semaphore_mem>>, %arg17: memref<!tpu.dma_semaphore, #tpu.memory_space<semaphore_mem>>) attributes {dimension_semantics = [#tpu.dimension_semantics<core_parallel>, #tpu.dimension_semantics<subcore_parallel>], iteration_bounds = array<i64: 2, 16>, scalar_prefetch = 0 : i64, scratch_operands = 9 : i64, tpu.core_type = #tpu.core_type<sc_vector_subcore>, window_params = [{transform_indices = #map}, {transform_indices = #map}, {transform_indices = #map}, {transform_indices = #map}, {transform_indices = #map}, {transform_indices = #map}, {transform_indices = #map}]} {
    "tpu.region"() ({
      %run_scoped3A = tpu.sem_alloc : memref<!tpu.dma_semaphore, #tpu.memory_space<semaphore_mem>>
      tpu.enqueue_dma source(%arg6 : memref<128x128xf32, #tpu.memory_space<hbm>>) target(%arg11 : memref<128x128xf32, #tpu.memory_space<vmem>>) target_semaphore(%run_scoped3A : memref<!tpu.dma_semaphore, #tpu.memory_space<semaphore_mem>>)
      tpu.wait_dma2 semaphore(%run_scoped3A : memref<!tpu.dma_semaphore, #tpu.memory_space<semaphore_mem>>) src(%arg6 : memref<128x128xf32, #tpu.memory_space<hbm>>) dst(%arg11 : memref<128x128xf32, #tpu.memory_space<vmem>>)
      tpu.yield
    }) : () -> ()
    %scan3A = arith.constant 0 : i32
    %scan3A_0 = arith.constant 0 : i32
    %scan3A_1 = arith.constant 6 : i32
    %scan3A_2 = arith.addi %scan3A_0, %scan3A_1 : i32
    %scan3A_3 = arith.constant 1 : i32
    scf.for %scan3A_19 = %scan3A_0 to %scan3A_2 step %scan3A_3  : i32 {
      %mul3A = arith.constant 16 : i32
      %mul3A_20 = arith.muli %scan3A_19, %mul3A : i32
      %add3A = arith.addi %mul3A_20, %arg1 : i32
      %lt3A = arith.constant 83 : i32
      %lt3A_21 = arith.cmpi slt, %add3A, %lt3A : i32
      %convert_element_type3A_22 = arith.extui %lt3A_21 : i1 to i32
      %cond3A_23 = arith.constant 0 : i32
      %cond3A_24 = arith.cmpi ne, %convert_element_type3A_22, %cond3A_23 : i32
      scf.if %cond3A_24 {
        %mul3A_25 = arith.constant 128 : i32
        %mul3A_26 = arith.muli %add3A, %mul3A_25 : i32
        "tpu.region"() ({
          %run_scoped3A = tpu.sem_alloc : memref<!tpu.dma_semaphore, #tpu.memory_space<semaphore_mem>>
          %dma_start3A = arith.constant 0 : i32
          %dma_start3A_27 = tpu.memref_slice %arg13[%mul3A_26, %dma_start3A] : memref<10624x128xf32, #tpu.memory_space<vmem_shared>> -> memref<128x128xf32, #tpu.memory_space<vmem_shared>>
          %dma_start3A_28 = arith.constant 0 : i32
          %dma_start3A_29 = tpu.memref_slice %arg13[%mul3A_26, %dma_start3A_28] : memref<10624x128xf32, #tpu.memory_space<vmem_shared>> -> memref<128x128xf32, #tpu.memory_space<vmem_shared>>
          tpu.enqueue_dma source(%arg11 : memref<128x128xf32, #tpu.memory_space<vmem>>) target(%dma_start3A_29 : memref<128x128xf32, #tpu.memory_space<vmem_shared>>) target_semaphore(%run_scoped3A : memref<!tpu.dma_semaphore, #tpu.memory_space<semaphore_mem>>)
          %dma_wait3A = arith.constant 0 : i32
          %dma_wait3A_30 = tpu.memref_slice %arg13[%mul3A_26, %dma_wait3A] : memref<10624x128xf32, #tpu.memory_space<vmem_shared>> -> memref<128x128xf32, #tpu.memory_space<vmem_shared>>
          %dma_wait3A_31 = arith.constant 0 : i32
          %dma_wait3A_32 = tpu.memref_slice %arg13[%mul3A_26, %dma_wait3A_31] : memref<10624x128xf32, #tpu.memory_space<vmem_shared>> -> memref<128x128xf32, #tpu.memory_space<vmem_shared>>
          tpu.wait_dma2 semaphore(%run_scoped3A : memref<!tpu.dma_semaphore, #tpu.memory_space<semaphore_mem>>) src(%arg11 : memref<128x128xf32, #tpu.memory_space<vmem>>) dst(%dma_wait3A_32 : memref<128x128xf32, #tpu.memory_space<vmem_shared>>)
          tpu.yield
        }) : () -> ()
      } else {
      }
    }
    %scan3A_4 = arith.constant 6 : i32
    %barrier3A = arith.constant 0 : index
    tpu.barrier barrier_id(%barrier3A)
    %eq3A = arith.constant 0 : i32
    %eq3A_5 = arith.cmpi eq, %arg0, %eq3A : i32
    %convert_element_type3A = arith.extui %eq3A_5 : i1 to i32
    %cond3A = arith.constant 0 : i32
    %cond3A_6 = arith.cmpi ne, %convert_element_type3A, %cond3A : i32
    scf.if %cond3A_6 {
      %scan3A_19 = arith.constant 0 : i32
      %scan3A_20 = arith.constant 0 : i32
      %scan3A_21 = arith.constant 5 : i32
      %scan3A_22 = arith.addi %scan3A_20, %scan3A_21 : i32
      %scan3A_23 = arith.constant 1 : i32
      scf.for %scan3A_25 = %scan3A_20 to %scan3A_22 step %scan3A_23  : i32 {
        %mul3A = arith.constant 80 : i32
        %mul3A_26 = arith.muli %arg1, %mul3A : i32
        %mul3A_27 = arith.constant 16 : i32
        %mul3A_28 = arith.muli %scan3A_25, %mul3A_27 : i32
        %add3A = arith.addi %mul3A_26, %mul3A_28 : i32
        "tpu.region"() ({
          %run_scoped3A = tpu.sem_alloc : memref<!tpu.dma_semaphore, #tpu.memory_space<semaphore_mem>>
          %dma_start3A_41 = arith.constant 0 : i32
          %dma_start3A_42 = tpu.memref_slice %arg4[%add3A, %dma_start3A_41] : memref<1280x128xi32, #tpu.memory_space<hbm>> -> memref<16x128xi32, #tpu.memory_space<hbm>>
          %dma_start3A_43 = arith.constant 0 : i32
          %dma_start3A_44 = tpu.memref_slice %arg4[%add3A, %dma_start3A_43] : memref<1280x128xi32, #tpu.memory_space<hbm>> -> memref<16x128xi32, #tpu.memory_space<hbm>>
          tpu.enqueue_dma source(%dma_start3A_44 : memref<16x128xi32, #tpu.memory_space<hbm>>) target(%arg9 : memref<16x128xi32, #tpu.memory_space<vmem>>) target_semaphore(%run_scoped3A : memref<!tpu.dma_semaphore, #tpu.memory_space<semaphore_mem>>)
          %dma_wait3A = arith.constant 0 : i32
          %dma_wait3A_45 = tpu.memref_slice %arg4[%add3A, %dma_wait3A] : memref<1280x128xi32, #tpu.memory_space<hbm>> -> memref<16x128xi32, #tpu.memory_space<hbm>>
          %dma_wait3A_46 = arith.constant 0 : i32
          %dma_wait3A_47 = tpu.memref_slice %arg4[%add3A, %dma_wait3A_46] : memref<1280x128xi32, #tpu.memory_space<hbm>> -> memref<16x128xi32, #tpu.memory_space<hbm>>
          tpu.wait_dma2 semaphore(%run_scoped3A : memref<!tpu.dma_semaphore, #tpu.memory_space<semaphore_mem>>) src(%dma_wait3A_47 : memref<16x128xi32, #tpu.memory_space<hbm>>) dst(%arg9 : memref<16x128xi32, #tpu.memory_space<vmem>>)
          tpu.yield
        }) : () -> ()
        "tpu.region"() ({
          %run_scoped3A = tpu.sem_alloc : memref<!tpu.dma_semaphore, #tpu.memory_space<semaphore_mem>>
          %dma_start3A_41 = arith.constant 0 : i32
          %dma_start3A_42 = tpu.memref_slice %arg5[%add3A, %dma_start3A_41] : memref<1280x128xi32, #tpu.memory_space<hbm>> -> memref<16x128xi32, #tpu.memory_space<hbm>>
          %dma_start3A_43 = arith.constant 0 : i32
          %dma_start3A_44 = tpu.memref_slice %arg5[%add3A, %dma_start3A_43] : memref<1280x128xi32, #tpu.memory_space<hbm>> -> memref<16x128xi32, #tpu.memory_space<hbm>>
          tpu.enqueue_dma source(%dma_start3A_44 : memref<16x128xi32, #tpu.memory_space<hbm>>) target(%arg10 : memref<16x128xi32, #tpu.memory_space<vmem>>) target_semaphore(%run_scoped3A : memref<!tpu.dma_semaphore, #tpu.memory_space<semaphore_mem>>)
          %dma_wait3A = arith.constant 0 : i32
          %dma_wait3A_45 = tpu.memref_slice %arg5[%add3A, %dma_wait3A] : memref<1280x128xi32, #tpu.memory_space<hbm>> -> memref<16x128xi32, #tpu.memory_space<hbm>>
          %dma_wait3A_46 = arith.constant 0 : i32
          %dma_wait3A_47 = tpu.memref_slice %arg5[%add3A, %dma_wait3A_46] : memref<1280x128xi32, #tpu.memory_space<hbm>> -> memref<16x128xi32, #tpu.memory_space<hbm>>
          tpu.wait_dma2 semaphore(%run_scoped3A : memref<!tpu.dma_semaphore, #tpu.memory_space<semaphore_mem>>) src(%dma_wait3A_47 : memref<16x128xi32, #tpu.memory_space<hbm>>) dst(%arg10 : memref<16x128xi32, #tpu.memory_space<vmem>>)
          tpu.yield
        }) : () -> ()
        %dma_start3A = arith.constant 0 : i32
        %dma_start3A_29 = arith.constant 0 : i32
        %dma_start3A_30 = tpu.memref_slice %arg9[%dma_start3A, %dma_start3A_29] : memref<16x128xi32, #tpu.memory_space<vmem>> -> memref<1x128xi32, #tpu.memory_space<vmem>>
        %dma_start3A_31 = tpu.memref_squeeze %dma_start3A_30 : memref<1x128xi32, #tpu.memory_space<vmem>> -> memref<128xi32, #tpu.memory_space<vmem>>
        %dma_start3A_32 = arith.constant 0 : i32
        %dma_start3A_33 = arith.constant 0 : i32
        %dma_start3A_34 = tpu.memref_slice %arg2[%dma_start3A_32, %dma_start3A_33] : memref<10512x128xf32, #tpu.memory_space<hbm>> -> memref<10512x128xf32, #tpu.memory_space<hbm>>
        tpu.enqueue_indirect_dma source(%dma_start3A_34 : memref<10512x128xf32, #tpu.memory_space<hbm>>) target(%arg11 : memref<128x128xf32, #tpu.memory_space<vmem>>) offsets(%dma_start3A_31 : memref<128xi32, #tpu.memory_space<vmem>>) semaphore(%arg14 : memref<!tpu.dma_semaphore, #tpu.memory_space<semaphore_mem>>)
        %scan3A_35 = arith.constant 0 : i32
        %scan3A_36 = arith.constant 0 : i32
        %scan3A_37 = arith.constant 8 : i32
        %scan3A_38 = arith.addi %scan3A_36, %scan3A_37 : i32
        %scan3A_39 = arith.constant 1 : i32
        scf.for %scan3A_41 = %scan3A_36 to %scan3A_38 step %scan3A_39  : i32 {
          %mul3A_42 = arith.constant 2 : i32
          %mul3A_43 = arith.muli %mul3A_42, %scan3A_41 : i32
          %add3A_44 = arith.constant 1 : i32
          %add3A_45 = arith.addi %mul3A_43, %add3A_44 : i32
          %dma_start3A_46 = arith.constant 0 : i32
          %dma_start3A_47 = tpu.memref_slice %arg9[%add3A_45, %dma_start3A_46] : memref<16x128xi32, #tpu.memory_space<vmem>> -> memref<1x128xi32, #tpu.memory_space<vmem>>
          %dma_start3A_48 = tpu.memref_squeeze %dma_start3A_47 : memref<1x128xi32, #tpu.memory_space<vmem>> -> memref<128xi32, #tpu.memory_space<vmem>>
          %dma_start3A_49 = arith.constant 0 : i32
          %dma_start3A_50 = arith.constant 0 : i32
          %dma_start3A_51 = tpu.memref_slice %arg2[%dma_start3A_49, %dma_start3A_50] : memref<10512x128xf32, #tpu.memory_space<hbm>> -> memref<10512x128xf32, #tpu.memory_space<hbm>>
          tpu.enqueue_indirect_dma source(%dma_start3A_51 : memref<10512x128xf32, #tpu.memory_space<hbm>>) target(%arg12 : memref<128x128xf32, #tpu.memory_space<vmem>>) offsets(%dma_start3A_48 : memref<128xi32, #tpu.memory_space<vmem>>) semaphore(%arg15 : memref<!tpu.dma_semaphore, #tpu.memory_space<semaphore_mem>>)
          %dma_wait3A = arith.constant 0 : i32
          %dma_wait3A_52 = tpu.memref_slice %arg9[%mul3A_43, %dma_wait3A] : memref<16x128xi32, #tpu.memory_space<vmem>> -> memref<1x128xi32, #tpu.memory_space<vmem>>
          %dma_wait3A_53 = tpu.memref_squeeze %dma_wait3A_52 : memref<1x128xi32, #tpu.memory_space<vmem>> -> memref<128xi32, #tpu.memory_space<vmem>>
          %dma_wait3A_54 = arith.constant 0 : i32
          %dma_wait3A_55 = arith.constant 0 : i32
          %dma_wait3A_56 = tpu.memref_slice %arg2[%dma_wait3A_54, %dma_wait3A_55] : memref<10512x128xf32, #tpu.memory_space<hbm>> -> memref<10512x128xf32, #tpu.memory_space<hbm>>
          tpu.wait_indirect_dma semaphore(%arg14 : memref<!tpu.dma_semaphore, #tpu.memory_space<semaphore_mem>>) src(%dma_wait3A_56 : memref<10512x128xf32, #tpu.memory_space<hbm>>) dst(%arg11 : memref<128x128xf32, #tpu.memory_space<vmem>>)
          "tpu.region"() ({
            %run_scoped3A = tpu.sem_alloc : memref<!tpu.dma_semaphore, #tpu.memory_space<semaphore_mem>>
            %dma_start3A_69 = arith.constant 0 : i32
            %dma_start3A_70 = tpu.memref_slice %arg10[%mul3A_43, %dma_start3A_69] : memref<16x128xi32, #tpu.memory_space<vmem>> -> memref<1x128xi32, #tpu.memory_space<vmem>>
            %dma_start3A_71 = tpu.memref_squeeze %dma_start3A_70 : memref<1x128xi32, #tpu.memory_space<vmem>> -> memref<128xi32, #tpu.memory_space<vmem>>
            %dma_start3A_72 = arith.constant 0 : i32
            %dma_start3A_73 = arith.constant 0 : i32
            %dma_start3A_74 = tpu.memref_slice %arg13[%dma_start3A_72, %dma_start3A_73] : memref<10624x128xf32, #tpu.memory_space<vmem_shared>> -> memref<10624x128xf32, #tpu.memory_space<vmem_shared>>
            tpu.enqueue_indirect_dma source(%arg11 : memref<128x128xf32, #tpu.memory_space<vmem>>) target(%dma_start3A_74 : memref<10624x128xf32, #tpu.memory_space<vmem_shared>>) offsets(%dma_start3A_71 : memref<128xi32, #tpu.memory_space<vmem>>) semaphore(%run_scoped3A : memref<!tpu.dma_semaphore, #tpu.memory_space<semaphore_mem>>) {add = true}
            %dma_wait3A_75 = arith.constant 0 : i32
            %dma_wait3A_76 = tpu.memref_slice %arg10[%mul3A_43, %dma_wait3A_75] : memref<16x128xi32, #tpu.memory_space<vmem>> -> memref<1x128xi32, #tpu.memory_space<vmem>>
            %dma_wait3A_77 = tpu.memref_squeeze %dma_wait3A_76 : memref<1x128xi32, #tpu.memory_space<vmem>> -> memref<128xi32, #tpu.memory_space<vmem>>
            %dma_wait3A_78 = arith.constant 0 : i32
            %dma_wait3A_79 = arith.constant 0 : i32
            %dma_wait3A_80 = tpu.memref_slice %arg13[%dma_wait3A_78, %dma_wait3A_79] : memref<10624x128xf32, #tpu.memory_space<vmem_shared>> -> memref<10624x128xf32, #tpu.memory_space<vmem_shared>>
            tpu.wait_indirect_dma semaphore(%run_scoped3A : memref<!tpu.dma_semaphore, #tpu.memory_space<semaphore_mem>>) src(%arg11 : memref<128x128xf32, #tpu.memory_space<vmem>>) dst(%dma_wait3A_80 : memref<10624x128xf32, #tpu.memory_space<vmem_shared>>)
            tpu.yield
          }) : () -> ()
          %add3A_57 = arith.constant 1 : i32
          %add3A_58 = arith.addi %add3A_45, %add3A_57 : i32
          %lt3A = arith.constant 16 : i32
          %lt3A_59 = arith.cmpi slt, %add3A_58, %lt3A : i32
          %convert_element_type3A_60 = arith.extui %lt3A_59 : i1 to i32
          %cond3A_61 = arith.constant 0 : i32
          %cond3A_62 = arith.cmpi ne, %convert_element_type3A_60, %cond3A_61 : i32
          scf.if %cond3A_62 {
            %add3A_69 = arith.constant 1 : i32
            %add3A_70 = arith.addi %add3A_45, %add3A_69 : i32
            %dma_start3A_71 = arith.constant 0 : i32
            %dma_start3A_72 = tpu.memref_slice %arg9[%add3A_70, %dma_start3A_71] : memref<16x128xi32, #tpu.memory_space<vmem>> -> memref<1x128xi32, #tpu.memory_space<vmem>>
            %dma_start3A_73 = tpu.memref_squeeze %dma_start3A_72 : memref<1x128xi32, #tpu.memory_space<vmem>> -> memref<128xi32, #tpu.memory_space<vmem>>
            %dma_start3A_74 = arith.constant 0 : i32
            %dma_start3A_75 = arith.constant 0 : i32
            %dma_start3A_76 = tpu.memref_slice %arg2[%dma_start3A_74, %dma_start3A_75] : memref<10512x128xf32, #tpu.memory_space<hbm>> -> memref<10512x128xf32, #tpu.memory_space<hbm>>
            tpu.enqueue_indirect_dma source(%dma_start3A_76 : memref<10512x128xf32, #tpu.memory_space<hbm>>) target(%arg11 : memref<128x128xf32, #tpu.memory_space<vmem>>) offsets(%dma_start3A_73 : memref<128xi32, #tpu.memory_space<vmem>>) semaphore(%arg14 : memref<!tpu.dma_semaphore, #tpu.memory_space<semaphore_mem>>)
          } else {
          }
          %dma_wait3A_63 = arith.constant 0 : i32
          %dma_wait3A_64 = tpu.memref_slice %arg9[%add3A_45, %dma_wait3A_63] : memref<16x128xi32, #tpu.memory_space<vmem>> -> memref<1x128xi32, #tpu.memory_space<vmem>>
          %dma_wait3A_65 = tpu.memref_squeeze %dma_wait3A_64 : memref<1x128xi32, #tpu.memory_space<vmem>> -> memref<128xi32, #tpu.memory_space<vmem>>
          %dma_wait3A_66 = arith.constant 0 : i32
          %dma_wait3A_67 = arith.constant 0 : i32
          %dma_wait3A_68 = tpu.memref_slice %arg2[%dma_wait3A_66, %dma_wait3A_67] : memref<10512x128xf32, #tpu.memory_space<hbm>> -> memref<10512x128xf32, #tpu.memory_space<hbm>>
          tpu.wait_indirect_dma semaphore(%arg15 : memref<!tpu.dma_semaphore, #tpu.memory_space<semaphore_mem>>) src(%dma_wait3A_68 : memref<10512x128xf32, #tpu.memory_space<hbm>>) dst(%arg12 : memref<128x128xf32, #tpu.memory_space<vmem>>)
          "tpu.region"() ({
            %run_scoped3A = tpu.sem_alloc : memref<!tpu.dma_semaphore, #tpu.memory_space<semaphore_mem>>
            %dma_start3A_69 = arith.constant 0 : i32
            %dma_start3A_70 = tpu.memref_slice %arg10[%add3A_45, %dma_start3A_69] : memref<16x128xi32, #tpu.memory_space<vmem>> -> memref<1x128xi32, #tpu.memory_space<vmem>>
            %dma_start3A_71 = tpu.memref_squeeze %dma_start3A_70 : memref<1x128xi32, #tpu.memory_space<vmem>> -> memref<128xi32, #tpu.memory_space<vmem>>
            %dma_start3A_72 = arith.constant 0 : i32
            %dma_start3A_73 = arith.constant 0 : i32
            %dma_start3A_74 = tpu.memref_slice %arg13[%dma_start3A_72, %dma_start3A_73] : memref<10624x128xf32, #tpu.memory_space<vmem_shared>> -> memref<10624x128xf32, #tpu.memory_space<vmem_shared>>
            tpu.enqueue_indirect_dma source(%arg12 : memref<128x128xf32, #tpu.memory_space<vmem>>) target(%dma_start3A_74 : memref<10624x128xf32, #tpu.memory_space<vmem_shared>>) offsets(%dma_start3A_71 : memref<128xi32, #tpu.memory_space<vmem>>) semaphore(%run_scoped3A : memref<!tpu.dma_semaphore, #tpu.memory_space<semaphore_mem>>) {add = true}
            %dma_wait3A_75 = arith.constant 0 : i32
            %dma_wait3A_76 = tpu.memref_slice %arg10[%add3A_45, %dma_wait3A_75] : memref<16x128xi32, #tpu.memory_space<vmem>> -> memref<1x128xi32, #tpu.memory_space<vmem>>
            %dma_wait3A_77 = tpu.memref_squeeze %dma_wait3A_76 : memref<1x128xi32, #tpu.memory_space<vmem>> -> memref<128xi32, #tpu.memory_space<vmem>>
            %dma_wait3A_78 = arith.constant 0 : i32
            %dma_wait3A_79 = arith.constant 0 : i32
            %dma_wait3A_80 = tpu.memref_slice %arg13[%dma_wait3A_78, %dma_wait3A_79] : memref<10624x128xf32, #tpu.memory_space<vmem_shared>> -> memref<10624x128xf32, #tpu.memory_space<vmem_shared>>
            tpu.wait_indirect_dma semaphore(%run_scoped3A : memref<!tpu.dma_semaphore, #tpu.memory_space<semaphore_mem>>) src(%arg12 : memref<128x128xf32, #tpu.memory_space<vmem>>) dst(%dma_wait3A_80 : memref<10624x128xf32, #tpu.memory_space<vmem_shared>>)
            tpu.yield
          }) : () -> ()
        }
        %scan3A_40 = arith.constant 8 : i32
      }
      %scan3A_24 = arith.constant 5 : i32
    } else {
    }
    %eq3A_7 = arith.constant 1 : i32
    %eq3A_8 = arith.cmpi eq, %arg0, %eq3A_7 : i32
    %convert_element_type3A_9 = arith.extui %eq3A_8 : i1 to i32
    %cond3A_10 = arith.constant 0 : i32
    %cond3A_11 = arith.cmpi ne, %convert_element_type3A_9, %cond3A_10 : i32
    scf.if %cond3A_11 {
      %scan3A_19 = arith.constant 0 : i32
      %scan3A_20 = arith.constant 0 : i32
      %scan3A_21 = arith.constant 5 : i32
      %scan3A_22 = arith.addi %scan3A_20, %scan3A_21 : i32
      %scan3A_23 = arith.constant 1 : i32
      scf.for %scan3A_25 = %scan3A_20 to %scan3A_22 step %scan3A_23  : i32 {
        %mul3A = arith.constant 80 : i32
        %mul3A_26 = arith.muli %arg1, %mul3A : i32
        %mul3A_27 = arith.constant 16 : i32
        %mul3A_28 = arith.muli %scan3A_25, %mul3A_27 : i32
        %add3A = arith.addi %mul3A_26, %mul3A_28 : i32
        "tpu.region"() ({
          %run_scoped3A = tpu.sem_alloc : memref<!tpu.dma_semaphore, #tpu.memory_space<semaphore_mem>>
          %dma_start3A_41 = arith.constant 0 : i32
          %dma_start3A_42 = tpu.memref_slice %arg4[%add3A, %dma_start3A_41] : memref<1280x128xi32, #tpu.memory_space<hbm>> -> memref<16x128xi32, #tpu.memory_space<hbm>>
          %dma_start3A_43 = arith.constant 0 : i32
          %dma_start3A_44 = tpu.memref_slice %arg4[%add3A, %dma_start3A_43] : memref<1280x128xi32, #tpu.memory_space<hbm>> -> memref<16x128xi32, #tpu.memory_space<hbm>>
          tpu.enqueue_dma source(%dma_start3A_44 : memref<16x128xi32, #tpu.memory_space<hbm>>) target(%arg9 : memref<16x128xi32, #tpu.memory_space<vmem>>) target_semaphore(%run_scoped3A : memref<!tpu.dma_semaphore, #tpu.memory_space<semaphore_mem>>)
          %dma_wait3A = arith.constant 0 : i32
          %dma_wait3A_45 = tpu.memref_slice %arg4[%add3A, %dma_wait3A] : memref<1280x128xi32, #tpu.memory_space<hbm>> -> memref<16x128xi32, #tpu.memory_space<hbm>>
          %dma_wait3A_46 = arith.constant 0 : i32
          %dma_wait3A_47 = tpu.memref_slice %arg4[%add3A, %dma_wait3A_46] : memref<1280x128xi32, #tpu.memory_space<hbm>> -> memref<16x128xi32, #tpu.memory_space<hbm>>
          tpu.wait_dma2 semaphore(%run_scoped3A : memref<!tpu.dma_semaphore, #tpu.memory_space<semaphore_mem>>) src(%dma_wait3A_47 : memref<16x128xi32, #tpu.memory_space<hbm>>) dst(%arg9 : memref<16x128xi32, #tpu.memory_space<vmem>>)
          tpu.yield
        }) : () -> ()
        "tpu.region"() ({
          %run_scoped3A = tpu.sem_alloc : memref<!tpu.dma_semaphore, #tpu.memory_space<semaphore_mem>>
          %dma_start3A_41 = arith.constant 0 : i32
          %dma_start3A_42 = tpu.memref_slice %arg5[%add3A, %dma_start3A_41] : memref<1280x128xi32, #tpu.memory_space<hbm>> -> memref<16x128xi32, #tpu.memory_space<hbm>>
          %dma_start3A_43 = arith.constant 0 : i32
          %dma_start3A_44 = tpu.memref_slice %arg5[%add3A, %dma_start3A_43] : memref<1280x128xi32, #tpu.memory_space<hbm>> -> memref<16x128xi32, #tpu.memory_space<hbm>>
          tpu.enqueue_dma source(%dma_start3A_44 : memref<16x128xi32, #tpu.memory_space<hbm>>) target(%arg10 : memref<16x128xi32, #tpu.memory_space<vmem>>) target_semaphore(%run_scoped3A : memref<!tpu.dma_semaphore, #tpu.memory_space<semaphore_mem>>)
          %dma_wait3A = arith.constant 0 : i32
          %dma_wait3A_45 = tpu.memref_slice %arg5[%add3A, %dma_wait3A] : memref<1280x128xi32, #tpu.memory_space<hbm>> -> memref<16x128xi32, #tpu.memory_space<hbm>>
          %dma_wait3A_46 = arith.constant 0 : i32
          %dma_wait3A_47 = tpu.memref_slice %arg5[%add3A, %dma_wait3A_46] : memref<1280x128xi32, #tpu.memory_space<hbm>> -> memref<16x128xi32, #tpu.memory_space<hbm>>
          tpu.wait_dma2 semaphore(%run_scoped3A : memref<!tpu.dma_semaphore, #tpu.memory_space<semaphore_mem>>) src(%dma_wait3A_47 : memref<16x128xi32, #tpu.memory_space<hbm>>) dst(%arg10 : memref<16x128xi32, #tpu.memory_space<vmem>>)
          tpu.yield
        }) : () -> ()
        %dma_start3A = arith.constant 0 : i32
        %dma_start3A_29 = arith.constant 0 : i32
        %dma_start3A_30 = tpu.memref_slice %arg9[%dma_start3A, %dma_start3A_29] : memref<16x128xi32, #tpu.memory_space<vmem>> -> memref<1x128xi32, #tpu.memory_space<vmem>>
        %dma_start3A_31 = tpu.memref_squeeze %dma_start3A_30 : memref<1x128xi32, #tpu.memory_space<vmem>> -> memref<128xi32, #tpu.memory_space<vmem>>
        %dma_start3A_32 = arith.constant 0 : i32
        %dma_start3A_33 = arith.constant 0 : i32
        %dma_start3A_34 = tpu.memref_slice %arg3[%dma_start3A_32, %dma_start3A_33] : memref<10512x128xf32, #tpu.memory_space<hbm>> -> memref<10512x128xf32, #tpu.memory_space<hbm>>
        tpu.enqueue_indirect_dma source(%dma_start3A_34 : memref<10512x128xf32, #tpu.memory_space<hbm>>) target(%arg11 : memref<128x128xf32, #tpu.memory_space<vmem>>) offsets(%dma_start3A_31 : memref<128xi32, #tpu.memory_space<vmem>>) semaphore(%arg14 : memref<!tpu.dma_semaphore, #tpu.memory_space<semaphore_mem>>)
        %scan3A_35 = arith.constant 0 : i32
        %scan3A_36 = arith.constant 0 : i32
        %scan3A_37 = arith.constant 8 : i32
        %scan3A_38 = arith.addi %scan3A_36, %scan3A_37 : i32
        %scan3A_39 = arith.constant 1 : i32
        scf.for %scan3A_41 = %scan3A_36 to %scan3A_38 step %scan3A_39  : i32 {
          %mul3A_42 = arith.constant 2 : i32
          %mul3A_43 = arith.muli %mul3A_42, %scan3A_41 : i32
          %add3A_44 = arith.constant 1 : i32
          %add3A_45 = arith.addi %mul3A_43, %add3A_44 : i32
          %dma_start3A_46 = arith.constant 0 : i32
          %dma_start3A_47 = tpu.memref_slice %arg9[%add3A_45, %dma_start3A_46] : memref<16x128xi32, #tpu.memory_space<vmem>> -> memref<1x128xi32, #tpu.memory_space<vmem>>
          %dma_start3A_48 = tpu.memref_squeeze %dma_start3A_47 : memref<1x128xi32, #tpu.memory_space<vmem>> -> memref<128xi32, #tpu.memory_space<vmem>>
          %dma_start3A_49 = arith.constant 0 : i32
          %dma_start3A_50 = arith.constant 0 : i32
          %dma_start3A_51 = tpu.memref_slice %arg3[%dma_start3A_49, %dma_start3A_50] : memref<10512x128xf32, #tpu.memory_space<hbm>> -> memref<10512x128xf32, #tpu.memory_space<hbm>>
          tpu.enqueue_indirect_dma source(%dma_start3A_51 : memref<10512x128xf32, #tpu.memory_space<hbm>>) target(%arg12 : memref<128x128xf32, #tpu.memory_space<vmem>>) offsets(%dma_start3A_48 : memref<128xi32, #tpu.memory_space<vmem>>) semaphore(%arg15 : memref<!tpu.dma_semaphore, #tpu.memory_space<semaphore_mem>>)
          %dma_wait3A = arith.constant 0 : i32
          %dma_wait3A_52 = tpu.memref_slice %arg9[%mul3A_43, %dma_wait3A] : memref<16x128xi32, #tpu.memory_space<vmem>> -> memref<1x128xi32, #tpu.memory_space<vmem>>
          %dma_wait3A_53 = tpu.memref_squeeze %dma_wait3A_52 : memref<1x128xi32, #tpu.memory_space<vmem>> -> memref<128xi32, #tpu.memory_space<vmem>>
          %dma_wait3A_54 = arith.constant 0 : i32
          %dma_wait3A_55 = arith.constant 0 : i32
          %dma_wait3A_56 = tpu.memref_slice %arg3[%dma_wait3A_54, %dma_wait3A_55] : memref<10512x128xf32, #tpu.memory_space<hbm>> -> memref<10512x128xf32, #tpu.memory_space<hbm>>
          tpu.wait_indirect_dma semaphore(%arg14 : memref<!tpu.dma_semaphore, #tpu.memory_space<semaphore_mem>>) src(%dma_wait3A_56 : memref<10512x128xf32, #tpu.memory_space<hbm>>) dst(%arg11 : memref<128x128xf32, #tpu.memory_space<vmem>>)
          "tpu.region"() ({
            %run_scoped3A = tpu.sem_alloc : memref<!tpu.dma_semaphore, #tpu.memory_space<semaphore_mem>>
            %dma_start3A_69 = arith.constant 0 : i32
            %dma_start3A_70 = tpu.memref_slice %arg10[%mul3A_43, %dma_start3A_69] : memref<16x128xi32, #tpu.memory_space<vmem>> -> memref<1x128xi32, #tpu.memory_space<vmem>>
            %dma_start3A_71 = tpu.memref_squeeze %dma_start3A_70 : memref<1x128xi32, #tpu.memory_space<vmem>> -> memref<128xi32, #tpu.memory_space<vmem>>
            %dma_start3A_72 = arith.constant 0 : i32
            %dma_start3A_73 = arith.constant 0 : i32
            %dma_start3A_74 = tpu.memref_slice %arg13[%dma_start3A_72, %dma_start3A_73] : memref<10624x128xf32, #tpu.memory_space<vmem_shared>> -> memref<10624x128xf32, #tpu.memory_space<vmem_shared>>
            tpu.enqueue_indirect_dma source(%arg11 : memref<128x128xf32, #tpu.memory_space<vmem>>) target(%dma_start3A_74 : memref<10624x128xf32, #tpu.memory_space<vmem_shared>>) offsets(%dma_start3A_71 : memref<128xi32, #tpu.memory_space<vmem>>) semaphore(%run_scoped3A : memref<!tpu.dma_semaphore, #tpu.memory_space<semaphore_mem>>) {add = true}
            %dma_wait3A_75 = arith.constant 0 : i32
            %dma_wait3A_76 = tpu.memref_slice %arg10[%mul3A_43, %dma_wait3A_75] : memref<16x128xi32, #tpu.memory_space<vmem>> -> memref<1x128xi32, #tpu.memory_space<vmem>>
            %dma_wait3A_77 = tpu.memref_squeeze %dma_wait3A_76 : memref<1x128xi32, #tpu.memory_space<vmem>> -> memref<128xi32, #tpu.memory_space<vmem>>
            %dma_wait3A_78 = arith.constant 0 : i32
            %dma_wait3A_79 = arith.constant 0 : i32
            %dma_wait3A_80 = tpu.memref_slice %arg13[%dma_wait3A_78, %dma_wait3A_79] : memref<10624x128xf32, #tpu.memory_space<vmem_shared>> -> memref<10624x128xf32, #tpu.memory_space<vmem_shared>>
            tpu.wait_indirect_dma semaphore(%run_scoped3A : memref<!tpu.dma_semaphore, #tpu.memory_space<semaphore_mem>>) src(%arg11 : memref<128x128xf32, #tpu.memory_space<vmem>>) dst(%dma_wait3A_80 : memref<10624x128xf32, #tpu.memory_space<vmem_shared>>)
            tpu.yield
          }) : () -> ()
          %add3A_57 = arith.constant 1 : i32
          %add3A_58 = arith.addi %add3A_45, %add3A_57 : i32
          %lt3A = arith.constant 16 : i32
          %lt3A_59 = arith.cmpi slt, %add3A_58, %lt3A : i32
          %convert_element_type3A_60 = arith.extui %lt3A_59 : i1 to i32
          %cond3A_61 = arith.constant 0 : i32
          %cond3A_62 = arith.cmpi ne, %convert_element_type3A_60, %cond3A_61 : i32
          scf.if %cond3A_62 {
            %add3A_69 = arith.constant 1 : i32
            %add3A_70 = arith.addi %add3A_45, %add3A_69 : i32
            %dma_start3A_71 = arith.constant 0 : i32
            %dma_start3A_72 = tpu.memref_slice %arg9[%add3A_70, %dma_start3A_71] : memref<16x128xi32, #tpu.memory_space<vmem>> -> memref<1x128xi32, #tpu.memory_space<vmem>>
            %dma_start3A_73 = tpu.memref_squeeze %dma_start3A_72 : memref<1x128xi32, #tpu.memory_space<vmem>> -> memref<128xi32, #tpu.memory_space<vmem>>
            %dma_start3A_74 = arith.constant 0 : i32
            %dma_start3A_75 = arith.constant 0 : i32
            %dma_start3A_76 = tpu.memref_slice %arg3[%dma_start3A_74, %dma_start3A_75] : memref<10512x128xf32, #tpu.memory_space<hbm>> -> memref<10512x128xf32, #tpu.memory_space<hbm>>
            tpu.enqueue_indirect_dma source(%dma_start3A_76 : memref<10512x128xf32, #tpu.memory_space<hbm>>) target(%arg11 : memref<128x128xf32, #tpu.memory_space<vmem>>) offsets(%dma_start3A_73 : memref<128xi32, #tpu.memory_space<vmem>>) semaphore(%arg14 : memref<!tpu.dma_semaphore, #tpu.memory_space<semaphore_mem>>)
          } else {
          }
          %dma_wait3A_63 = arith.constant 0 : i32
          %dma_wait3A_64 = tpu.memref_slice %arg9[%add3A_45, %dma_wait3A_63] : memref<16x128xi32, #tpu.memory_space<vmem>> -> memref<1x128xi32, #tpu.memory_space<vmem>>
          %dma_wait3A_65 = tpu.memref_squeeze %dma_wait3A_64 : memref<1x128xi32, #tpu.memory_space<vmem>> -> memref<128xi32, #tpu.memory_space<vmem>>
          %dma_wait3A_66 = arith.constant 0 : i32
          %dma_wait3A_67 = arith.constant 0 : i32
          %dma_wait3A_68 = tpu.memref_slice %arg3[%dma_wait3A_66, %dma_wait3A_67] : memref<10512x128xf32, #tpu.memory_space<hbm>> -> memref<10512x128xf32, #tpu.memory_space<hbm>>
          tpu.wait_indirect_dma semaphore(%arg15 : memref<!tpu.dma_semaphore, #tpu.memory_space<semaphore_mem>>) src(%dma_wait3A_68 : memref<10512x128xf32, #tpu.memory_space<hbm>>) dst(%arg12 : memref<128x128xf32, #tpu.memory_space<vmem>>)
          "tpu.region"() ({
            %run_scoped3A = tpu.sem_alloc : memref<!tpu.dma_semaphore, #tpu.memory_space<semaphore_mem>>
            %dma_start3A_69 = arith.constant 0 : i32
            %dma_start3A_70 = tpu.memref_slice %arg10[%add3A_45, %dma_start3A_69] : memref<16x128xi32, #tpu.memory_space<vmem>> -> memref<1x128xi32, #tpu.memory_space<vmem>>
            %dma_start3A_71 = tpu.memref_squeeze %dma_start3A_70 : memref<1x128xi32, #tpu.memory_space<vmem>> -> memref<128xi32, #tpu.memory_space<vmem>>
            %dma_start3A_72 = arith.constant 0 : i32
            %dma_start3A_73 = arith.constant 0 : i32
            %dma_start3A_74 = tpu.memref_slice %arg13[%dma_start3A_72, %dma_start3A_73] : memref<10624x128xf32, #tpu.memory_space<vmem_shared>> -> memref<10624x128xf32, #tpu.memory_space<vmem_shared>>
            tpu.enqueue_indirect_dma source(%arg12 : memref<128x128xf32, #tpu.memory_space<vmem>>) target(%dma_start3A_74 : memref<10624x128xf32, #tpu.memory_space<vmem_shared>>) offsets(%dma_start3A_71 : memref<128xi32, #tpu.memory_space<vmem>>) semaphore(%run_scoped3A : memref<!tpu.dma_semaphore, #tpu.memory_space<semaphore_mem>>) {add = true}
            %dma_wait3A_75 = arith.constant 0 : i32
            %dma_wait3A_76 = tpu.memref_slice %arg10[%add3A_45, %dma_wait3A_75] : memref<16x128xi32, #tpu.memory_space<vmem>> -> memref<1x128xi32, #tpu.memory_space<vmem>>
            %dma_wait3A_77 = tpu.memref_squeeze %dma_wait3A_76 : memref<1x128xi32, #tpu.memory_space<vmem>> -> memref<128xi32, #tpu.memory_space<vmem>>
            %dma_wait3A_78 = arith.constant 0 : i32
            %dma_wait3A_79 = arith.constant 0 : i32
            %dma_wait3A_80 = tpu.memref_slice %arg13[%dma_wait3A_78, %dma_wait3A_79] : memref<10624x128xf32, #tpu.memory_space<vmem_shared>> -> memref<10624x128xf32, #tpu.memory_space<vmem_shared>>
            tpu.wait_indirect_dma semaphore(%run_scoped3A : memref<!tpu.dma_semaphore, #tpu.memory_space<semaphore_mem>>) src(%arg12 : memref<128x128xf32, #tpu.memory_space<vmem>>) dst(%dma_wait3A_80 : memref<10624x128xf32, #tpu.memory_space<vmem_shared>>)
            tpu.yield
          }) : () -> ()
        }
        %scan3A_40 = arith.constant 8 : i32
      }
      %scan3A_24 = arith.constant 5 : i32
    } else {
    }
    %barrier3A_12 = arith.constant 0 : index
    tpu.barrier barrier_id(%barrier3A_12)
    %scan3A_13 = arith.constant 0 : i32
    %scan3A_14 = arith.constant 0 : i32
    %scan3A_15 = arith.constant 6 : i32
    %scan3A_16 = arith.addi %scan3A_14, %scan3A_15 : i32
    %scan3A_17 = arith.constant 1 : i32
    scf.for %scan3A_19 = %scan3A_14 to %scan3A_16 step %scan3A_17  : i32 {
      %mul3A = arith.constant 16 : i32
      %mul3A_20 = arith.muli %scan3A_19, %mul3A : i32
      %add3A = arith.addi %mul3A_20, %arg1 : i32
      %lt3A = arith.constant 83 : i32
      %lt3A_21 = arith.cmpi slt, %add3A, %lt3A : i32
      %convert_element_type3A_22 = arith.extui %lt3A_21 : i1 to i32
      %cond3A_23 = arith.constant 0 : i32
      %cond3A_24 = arith.cmpi ne, %convert_element_type3A_22, %cond3A_23 : i32
      scf.if %cond3A_24 {
        %mul3A_25 = arith.constant 128 : i32
        %mul3A_26 = arith.muli %add3A, %mul3A_25 : i32
        "tpu.region"() ({
          %run_scoped3A = tpu.sem_alloc : memref<!tpu.dma_semaphore, #tpu.memory_space<semaphore_mem>>
          %dma_start3A = arith.constant 0 : i32
          %dma_start3A_37 = tpu.memref_slice %arg13[%mul3A_26, %dma_start3A] : memref<10624x128xf32, #tpu.memory_space<vmem_shared>> -> memref<128x128xf32, #tpu.memory_space<vmem_shared>>
          %dma_start3A_38 = arith.constant 0 : i32
          %dma_start3A_39 = tpu.memref_slice %arg13[%mul3A_26, %dma_start3A_38] : memref<10624x128xf32, #tpu.memory_space<vmem_shared>> -> memref<128x128xf32, #tpu.memory_space<vmem_shared>>
          tpu.enqueue_dma source(%dma_start3A_39 : memref<128x128xf32, #tpu.memory_space<vmem_shared>>) target(%arg11 : memref<128x128xf32, #tpu.memory_space<vmem>>) target_semaphore(%run_scoped3A : memref<!tpu.dma_semaphore, #tpu.memory_space<semaphore_mem>>)
          %dma_wait3A = arith.constant 0 : i32
          %dma_wait3A_40 = tpu.memref_slice %arg13[%mul3A_26, %dma_wait3A] : memref<10624x128xf32, #tpu.memory_space<vmem_shared>> -> memref<128x128xf32, #tpu.memory_space<vmem_shared>>
          %dma_wait3A_41 = arith.constant 0 : i32
          %dma_wait3A_42 = tpu.memref_slice %arg13[%mul3A_26, %dma_wait3A_41] : memref<10624x128xf32, #tpu.memory_space<vmem_shared>> -> memref<128x128xf32, #tpu.memory_space<vmem_shared>>
          tpu.wait_dma2 semaphore(%run_scoped3A : memref<!tpu.dma_semaphore, #tpu.memory_space<semaphore_mem>>) src(%dma_wait3A_42 : memref<128x128xf32, #tpu.memory_space<vmem_shared>>) dst(%arg11 : memref<128x128xf32, #tpu.memory_space<vmem>>)
          tpu.yield
        }) : () -> ()
        %eq3A_27 = arith.constant 0 : i32
        %eq3A_28 = arith.cmpi eq, %arg0, %eq3A_27 : i32
        %convert_element_type3A_29 = arith.extui %eq3A_28 : i1 to i32
        %cond3A_30 = arith.constant 0 : i32
        %cond3A_31 = arith.cmpi ne, %convert_element_type3A_29, %cond3A_30 : i32
        scf.if %cond3A_31 {
          %mul3A_37 = arith.constant 128 : i32
          %mul3A_38 = arith.muli %add3A, %mul3A_37 : i32
          "tpu.region"() ({
            %run_scoped3A = tpu.sem_alloc : memref<!tpu.dma_semaphore, #tpu.memory_space<semaphore_mem>>
            %dma_start3A = arith.constant 0 : i32
            %dma_start3A_39 = tpu.memref_slice %arg7[%mul3A_38, %dma_start3A] : memref<10624x128xf32, #tpu.memory_space<hbm>> -> memref<128x128xf32, #tpu.memory_space<hbm>>
            %dma_start3A_40 = arith.constant 0 : i32
            %dma_start3A_41 = tpu.memref_slice %arg7[%mul3A_38, %dma_start3A_40] : memref<10624x128xf32, #tpu.memory_space<hbm>> -> memref<128x128xf32, #tpu.memory_space<hbm>>
            tpu.enqueue_dma source(%arg11 : memref<128x128xf32, #tpu.memory_space<vmem>>) target(%dma_start3A_41 : memref<128x128xf32, #tpu.memory_space<hbm>>) target_semaphore(%run_scoped3A : memref<!tpu.dma_semaphore, #tpu.memory_space<semaphore_mem>>)
            %dma_wait3A = arith.constant 0 : i32
            %dma_wait3A_42 = tpu.memref_slice %arg7[%mul3A_38, %dma_wait3A] : memref<10624x128xf32, #tpu.memory_space<hbm>> -> memref<128x128xf32, #tpu.memory_space<hbm>>
            %dma_wait3A_43 = arith.constant 0 : i32
            %dma_wait3A_44 = tpu.memref_slice %arg7[%mul3A_38, %dma_wait3A_43] : memref<10624x128xf32, #tpu.memory_space<hbm>> -> memref<128x128xf32, #tpu.memory_space<hbm>>
            tpu.wait_dma2 semaphore(%run_scoped3A : memref<!tpu.dma_semaphore, #tpu.memory_space<semaphore_mem>>) src(%arg11 : memref<128x128xf32, #tpu.memory_space<vmem>>) dst(%dma_wait3A_44 : memref<128x128xf32, #tpu.memory_space<hbm>>)
            tpu.yield
          }) : () -> ()
        } else {
        }
        %eq3A_32 = arith.constant 1 : i32
        %eq3A_33 = arith.cmpi eq, %arg0, %eq3A_32 : i32
        %convert_element_type3A_34 = arith.extui %eq3A_33 : i1 to i32
        %cond3A_35 = arith.constant 0 : i32
        %cond3A_36 = arith.cmpi ne, %convert_element_type3A_34, %cond3A_35 : i32
        scf.if %cond3A_36 {
          %mul3A_37 = arith.constant 128 : i32
          %mul3A_38 = arith.muli %add3A, %mul3A_37 : i32
          "tpu.region"() ({
            %run_scoped3A = tpu.sem_alloc : memref<!tpu.dma_semaphore, #tpu.memory_space<semaphore_mem>>
            %dma_start3A = arith.constant 0 : i32
            %dma_start3A_39 = tpu.memref_slice %arg8[%mul3A_38, %dma_start3A] : memref<10624x128xf32, #tpu.memory_space<hbm>> -> memref<128x128xf32, #tpu.memory_space<hbm>>
            %dma_start3A_40 = arith.constant 0 : i32
            %dma_start3A_41 = tpu.memref_slice %arg8[%mul3A_38, %dma_start3A_40] : memref<10624x128xf32, #tpu.memory_space<hbm>> -> memref<128x128xf32, #tpu.memory_space<hbm>>
            tpu.enqueue_dma source(%arg11 : memref<128x128xf32, #tpu.memory_space<vmem>>) target(%dma_start3A_41 : memref<128x128xf32, #tpu.memory_space<hbm>>) target_semaphore(%run_scoped3A : memref<!tpu.dma_semaphore, #tpu.memory_space<semaphore_mem>>)
            %dma_wait3A = arith.constant 0 : i32
            %dma_wait3A_42 = tpu.memref_slice %arg8[%mul3A_38, %dma_wait3A] : memref<10624x128xf32, #tpu.memory_space<hbm>> -> memref<128x128xf32, #tpu.memory_space<hbm>>
            %dma_wait3A_43 = arith.constant 0 : i32
            %dma_wait3A_44 = tpu.memref_slice %arg8[%mul3A_38, %dma_wait3A_43] : memref<10624x128xf32, #tpu.memory_space<hbm>> -> memref<128x128xf32, #tpu.memory_space<hbm>>
            tpu.wait_dma2 semaphore(%run_scoped3A : memref<!tpu.dma_semaphore, #tpu.memory_space<semaphore_mem>>) src(%arg11 : memref<128x128xf32, #tpu.memory_space<vmem>>) dst(%dma_wait3A_44 : memref<128x128xf32, #tpu.memory_space<hbm>>)
            tpu.yield
          }) : () -> ()
        } else {
        }
      } else {
      }
    }
    %scan3A_18 = arith.constant 6 : i32
    return
  }
}

module attributes {stable_mosaic.version = 14 : i64} {
  func.func @_k1_body(%arg0: i32, %arg1: memref<512x256xf32, #tpu.memory_space<vmem>>, %arg2: memref<1536x256xf32, #tpu.memory_space<vmem>>, %arg3: memref<1536x256xf32, #tpu.memory_space<vmem>>, %arg4: memref<256x256xf32, #tpu.memory_space<vmem>>, %arg5: memref<1x256xf32, #tpu.memory_space<vmem>>, %arg6: memref<1x256xf32, #tpu.memory_space<vmem>>, %arg7: memref<1x256xf32, #tpu.memory_space<vmem>>, %arg8: memref<512x128xf32, #tpu.memory_space<vmem>>, %arg9: memref<512x128xf32, #tpu.memory_space<vmem>>) attributes {dimension_semantics = [#tpu.dimension_semantics<arbitrary>], iteration_bounds = array<i64: 21>, scalar_prefetch = 0 : i64, scratch_operands = 0 : i64, tpu.core_type = #tpu.core_type<tc>, window_params = [{transform_indices = @transform_0, window_bounds = array<i64: 512, 256>}, {pipeline_mode = #tpu.pipeline_mode<synchronous>, transform_indices = @transform_1, window_bounds = array<i64: 1536, 256>}, {pipeline_mode = #tpu.pipeline_mode<synchronous>, transform_indices = @transform_2, window_bounds = array<i64: 1536, 256>}, {pipeline_mode = #tpu.pipeline_mode<synchronous>, transform_indices = @transform_3, window_bounds = array<i64: 256, 256>}, {pipeline_mode = #tpu.pipeline_mode<synchronous>, transform_indices = @transform_4, window_bounds = array<i64: 1, 256>}, {pipeline_mode = #tpu.pipeline_mode<synchronous>, transform_indices = @transform_5, window_bounds = array<i64: 1, 256>}, {pipeline_mode = #tpu.pipeline_mode<synchronous>, transform_indices = @transform_6, window_bounds = array<i64: 1, 256>}, {transform_indices = @transform_7, window_bounds = array<i64: 512, 128>}, {transform_indices = @transform_8, window_bounds = array<i64: 512, 128>}]} {
    %mul3A = arith.constant 512 : i32
    %mul3A_0 = arith.muli %arg0, %mul3A : i32
    %sub3A = arith.constant 10000 : i32
    %sub3A_1 = arith.subi %mul3A_0, %sub3A : i32
    %add3A = arith.constant 512 : i32
    %add3A_2 = arith.addi %sub3A_1, %add3A : i32
    %jit3A = arith.constant 0 : i32
    %jit3A_3 = arith.constant 1024 : i32
    %max3A = arith.maxsi %jit3A, %add3A_2 : i32
    %min3A = arith.minsi %jit3A_3, %max3A : i32
    %multiple_of3A = tpu.assume_multiple %min3A, 16 : i32
    %iota3A = tpu.iota {dimensions = array<i32: 0>} : vector<512x1xi32>
    %add3A_4 = vector.broadcast %mul3A_0 : i32 to vector<512x1xi32>
    %add3A_5 = arith.addi %add3A_4, %iota3A : vector<512x1xi32>
    %get3A = arith.index_cast %multiple_of3A : i32 to index
    %get3A_6 = arith.constant 0 : index
    %get3A_7 = vector.load %arg2[%get3A, %get3A_6] : memref<1536x256xf32, #tpu.memory_space<vmem>>, vector<512x256xf32>
    %ge3A = arith.constant 10000 : i32
    %ge3A_8 = vector.broadcast %ge3A : i32 to vector<512x1xi32>
    %ge3A_9 = arith.cmpi sge, %add3A_5, %ge3A_8 : vector<512x1xi32>
    %get3A_10 = arith.constant 0 : index
    %get3A_11 = arith.constant 0 : index
    %get3A_12 = vector.load %arg1[%get3A_10, %get3A_11] : memref<512x256xf32, #tpu.memory_space<vmem>>, vector<512x256xf32>
    %broadcast_in_dim3A = vector.shape_cast %ge3A_9 : vector<512x1xi1> to vector<512x1xi1>
    %broadcast_in_dim3A_13 = vector.broadcast %broadcast_in_dim3A : vector<512x1xi1> to vector<512x256xi1>
    %select_n3A = arith.select %broadcast_in_dim3A_13, %get3A_7, %get3A_12 : vector<512x256xi1>, vector<512x256xf32>
    %get3A_14 = arith.constant 0 : index
    %get3A_15 = arith.constant 0 : index
    %get3A_16 = vector.load %arg4[%get3A_14, %get3A_15] : memref<256x256xf32, #tpu.memory_space<vmem>>, vector<256x256xf32>
    %dot_general3A = arith.constant dense<0.000000e+00> : vector<512x256xf32>
    %dot_general3A_17 = tpu.matmul %select_n3A, %get3A_16, %dot_general3A {dimension_numbers = #tpu.dot_dimension_numbers<[1], [0], [0], [1], [0, 0, 1, 1], [], []>, transpose_lhs_hint = false} : vector<512x256xf32>, vector<256x256xf32>, vector<512x256xf32> -> vector<512x256xf32>
    %get3A_18 = arith.constant 0 : index
    %get3A_19 = arith.constant 0 : index
    %get3A_20 = vector.load %arg5[%get3A_18, %get3A_19] : memref<1x256xf32, #tpu.memory_space<vmem>>, vector<1x256xf32>
    %add3A_21 = vector.broadcast %get3A_20 : vector<1x256xf32> to vector<512x256xf32>
    %add3A_22 = arith.addf %dot_general3A_17, %add3A_21 : vector<512x256xf32>
    %get3A_23 = arith.constant 0 : index
    %get3A_24 = arith.constant 0 : index
    %get3A_25 = vector.load %arg6[%get3A_23, %get3A_24] : memref<1x256xf32, #tpu.memory_space<vmem>>, vector<1x256xf32>
    %get3A_26 = arith.constant 0 : index
    %get3A_27 = arith.constant 0 : index
    %get3A_28 = vector.load %arg7[%get3A_26, %get3A_27] : memref<1x256xf32, #tpu.memory_space<vmem>>, vector<1x256xf32>
    %reduce_sum3A = arith.constant dense<0.000000e+00> : vector<512xf32>
    %reduce_sum3A_29 = vector.multi_reduction <add>, %add3A_22, %reduce_sum3A [1] : vector<512x256xf32> to vector<512xf32>
    %broadcast_in_dim3A_30 = vector.shape_cast %reduce_sum3A_29 : vector<512xf32> to vector<512x1xf32>
    %div3A = arith.constant 2.560000e+02 : f32
    %div3A_31 = vector.broadcast %div3A : f32 to vector<512x1xf32>
    %div3A_32 = arith.divf %broadcast_in_dim3A_30, %div3A_31 : vector<512x1xf32>
    %sub3A_33 = vector.broadcast %div3A_32 : vector<512x1xf32> to vector<512x256xf32>
    %sub3A_34 = arith.subf %add3A_22, %sub3A_33 : vector<512x256xf32>
    %integer_pow3A = arith.mulf %sub3A_34, %sub3A_34 : vector<512x256xf32>
    %reduce_sum3A_35 = arith.constant dense<0.000000e+00> : vector<512xf32>
    %reduce_sum3A_36 = vector.multi_reduction <add>, %integer_pow3A, %reduce_sum3A_35 [1] : vector<512x256xf32> to vector<512xf32>
    %broadcast_in_dim3A_37 = vector.shape_cast %reduce_sum3A_36 : vector<512xf32> to vector<512x1xf32>
    %div3A_38 = arith.constant 2.560000e+02 : f32
    %div3A_39 = vector.broadcast %div3A_38 : f32 to vector<512x1xf32>
    %div3A_40 = arith.divf %broadcast_in_dim3A_37, %div3A_39 : vector<512x1xf32>
    %sub3A_41 = vector.broadcast %div3A_32 : vector<512x1xf32> to vector<512x256xf32>
    %sub3A_42 = arith.subf %add3A_22, %sub3A_41 : vector<512x256xf32>
    %add3A_43 = arith.constant 9.99999974E-6 : f32
    %add3A_44 = vector.broadcast %add3A_43 : f32 to vector<512x1xf32>
    %add3A_45 = arith.addf %div3A_40, %add3A_44 : vector<512x1xf32>
    %sqrt3A = math.sqrt %add3A_45 : vector<512x1xf32>
    %div3A_46 = vector.broadcast %sqrt3A : vector<512x1xf32> to vector<512x256xf32>
    %div3A_47 = arith.divf %sub3A_42, %div3A_46 : vector<512x256xf32>
    %mul3A_48 = vector.broadcast %get3A_25 : vector<1x256xf32> to vector<512x256xf32>
    %mul3A_49 = arith.mulf %div3A_47, %mul3A_48 : vector<512x256xf32>
    %add3A_50 = vector.broadcast %get3A_28 : vector<1x256xf32> to vector<512x256xf32>
    %add3A_51 = arith.addf %mul3A_49, %add3A_50 : vector<512x256xf32>
    %gt3A = arith.constant 0.000000e+00 : f32
    %gt3A_52 = vector.broadcast %gt3A : f32 to vector<512x256xf32>
    %gt3A_53 = arith.cmpf ogt, %add3A_51, %gt3A_52 : vector<512x256xf32>
    %exp3A = math.exp %add3A_51 : vector<512x256xf32>
    %sub3A_54 = arith.constant 1.000000e+00 : f32
    %sub3A_55 = vector.broadcast %sub3A_54 : f32 to vector<512x256xf32>
    %sub3A_56 = arith.subf %exp3A, %sub3A_55 : vector<512x256xf32>
    %select_n3A_57 = arith.select %gt3A_53, %add3A_51, %sub3A_56 : vector<512x256xi1>, vector<512x256xf32>
    %get3A_58 = arith.index_cast %multiple_of3A : i32 to index
    %get3A_59 = arith.constant 0 : index
    %get3A_60 = vector.load %arg3[%get3A_58, %get3A_59] : memref<1536x256xf32, #tpu.memory_space<vmem>>, vector<512x256xf32>
    %add3A_61 = arith.addf %select_n3A_57, %get3A_60 : vector<512x256xf32>
    %slice3A = vector.extract_strided_slice %add3A_61 {offsets = [0, 0], sizes = [512, 128], strides = [1, 1]} : vector<512x256xf32> to vector<512x128xf32>
    %swap3A = arith.constant 0 : index
    %swap3A_62 = arith.constant 0 : index
    %swap3A_63 = vector.load %arg8[%swap3A, %swap3A_62] : memref<512x128xf32, #tpu.memory_space<vmem>>, vector<512x128xf32>
    tpu.vector_store %arg8[%swap3A, %swap3A_62], %slice3A {strides = array<i32>} : memref<512x128xf32, #tpu.memory_space<vmem>>, vector<512x128xf32>,
    %slice3A_64 = vector.extract_strided_slice %add3A_61 {offsets = [0, 128], sizes = [512, 128], strides = [1, 1]} : vector<512x256xf32> to vector<512x128xf32>
    %swap3A_65 = arith.constant 0 : index
    %swap3A_66 = arith.constant 0 : index
    %swap3A_67 = vector.load %arg9[%swap3A_65, %swap3A_66] : memref<512x128xf32, #tpu.memory_space<vmem>>, vector<512x128xf32>
    tpu.vector_store %arg9[%swap3A_65, %swap3A_66], %slice3A_64 {strides = array<i32>} : memref<512x128xf32, #tpu.memory_space<vmem>>, vector<512x128xf32>,
    return
  }
  func.func @transform_0(%arg0: i32) -> (i32, i32) {
    %c0_i32 = arith.constant 0 : i32
    %c0_i32_0 = arith.constant 0 : i32
    return %arg0, %c0_i32 : i32, i32
  }
  func.func @transform_1(%arg0: i32) -> (i32, i32) {
    %c0_i32 = arith.constant 0 : i32
    %c0_i32_0 = arith.constant 0 : i32
    %c0_i32_1 = arith.constant 0 : i32
    return %c0_i32, %c0_i32_0 : i32, i32
  }
  func.func @transform_2(%arg0: i32) -> (i32, i32) {
    %c0_i32 = arith.constant 0 : i32
    %c0_i32_0 = arith.constant 0 : i32
    %c0_i32_1 = arith.constant 0 : i32
    return %c0_i32, %c0_i32_0 : i32, i32
  }
  func.func @transform_3(%arg0: i32) -> (i32, i32) {
    %c0_i32 = arith.constant 0 : i32
    %c0_i32_0 = arith.constant 0 : i32
    %c0_i32_1 = arith.constant 0 : i32
    return %c0_i32, %c0_i32_0 : i32, i32
  }
  func.func @transform_4(%arg0: i32) -> (i32, i32) {
    %c0_i32 = arith.constant 0 : i32
    %c0_i32_0 = arith.constant 0 : i32
    %c0_i32_1 = arith.constant 0 : i32
    return %c0_i32, %c0_i32_0 : i32, i32
  }
  func.func @transform_5(%arg0: i32) -> (i32, i32) {
    %c0_i32 = arith.constant 0 : i32
    %c0_i32_0 = arith.constant 0 : i32
    %c0_i32_1 = arith.constant 0 : i32
    return %c0_i32, %c0_i32_0 : i32, i32
  }
  func.func @transform_6(%arg0: i32) -> (i32, i32) {
    %c0_i32 = arith.constant 0 : i32
    %c0_i32_0 = arith.constant 0 : i32
    %c0_i32_1 = arith.constant 0 : i32
    return %c0_i32, %c0_i32_0 : i32, i32
  }
  func.func @transform_7(%arg0: i32) -> (i32, i32) {
    %c0_i32 = arith.constant 0 : i32
    %c0_i32_0 = arith.constant 0 : i32
    return %arg0, %c0_i32 : i32, i32
  }
  func.func @transform_8(%arg0: i32) -> (i32, i32) {
    %c0_i32 = arith.constant 0 : i32
    %c0_i32_0 = arith.constant 0 : i32
    return %arg0, %c0_i32 : i32, i32
  }
}

module attributes {stable_mosaic.version = 14 : i64} {
  func.func @_k1b_body(%arg0: i32, %arg1: memref<512x128xf32, #tpu.memory_space<vmem>>, %arg2: memref<512x128xf32, #tpu.memory_space<vmem>>, %arg3: memref<256x256xf32, #tpu.memory_space<vmem>>, %arg4: memref<1x256xf32, #tpu.memory_space<vmem>>, %arg5: memref<512x256xf32, #tpu.memory_space<vmem>>) attributes {dimension_semantics = [#tpu.dimension_semantics<arbitrary>], iteration_bounds = array<i64: 21>, scalar_prefetch = 0 : i64, scratch_operands = 0 : i64, tpu.core_type = #tpu.core_type<tc>, window_params = [{transform_indices = @transform_0, window_bounds = array<i64: 512, 128>}, {transform_indices = @transform_1, window_bounds = array<i64: 512, 128>}, {pipeline_mode = #tpu.pipeline_mode<synchronous>, transform_indices = @transform_2, window_bounds = array<i64: 256, 256>}, {pipeline_mode = #tpu.pipeline_mode<synchronous>, transform_indices = @transform_3, window_bounds = array<i64: 1, 256>}, {transform_indices = @transform_4, window_bounds = array<i64: 512, 256>}]} {
    %get3A = arith.constant 0 : index
    %get3A_0 = arith.constant 0 : index
    %get3A_1 = vector.load %arg1[%get3A, %get3A_0] : memref<512x128xf32, #tpu.memory_space<vmem>>, vector<512x128xf32>
    %get3A_2 = arith.constant 0 : index
    %get3A_3 = arith.constant 0 : index
    %get3A_4 = vector.load %arg2[%get3A_2, %get3A_3] : memref<512x128xf32, #tpu.memory_space<vmem>>, vector<512x128xf32>
    %concatenate3A = tpu.concatenate %get3A_1, %get3A_4 in 1 : vector<512x128xf32>, vector<512x128xf32> -> vector<512x256xf32>
    %get3A_5 = arith.constant 0 : index
    %get3A_6 = arith.constant 0 : index
    %get3A_7 = vector.load %arg3[%get3A_5, %get3A_6] : memref<256x256xf32, #tpu.memory_space<vmem>>, vector<256x256xf32>
    %dot_general3A = arith.constant dense<0.000000e+00> : vector<512x256xf32>
    %dot_general3A_8 = tpu.matmul %concatenate3A, %get3A_7, %dot_general3A {dimension_numbers = #tpu.dot_dimension_numbers<[1], [0], [0], [1], [0, 0, 1, 1], [], []>, transpose_lhs_hint = false} : vector<512x256xf32>, vector<256x256xf32>, vector<512x256xf32> -> vector<512x256xf32>
    %get3A_9 = arith.constant 0 : index
    %get3A_10 = arith.constant 0 : index
    %get3A_11 = vector.load %arg4[%get3A_9, %get3A_10] : memref<1x256xf32, #tpu.memory_space<vmem>>, vector<1x256xf32>
    %add3A = vector.broadcast %get3A_11 : vector<1x256xf32> to vector<512x256xf32>
    %add3A_12 = arith.addf %dot_general3A_8, %add3A : vector<512x256xf32>
    %swap3A = arith.constant 0 : index
    %swap3A_13 = arith.constant 0 : index
    %swap3A_14 = vector.load %arg5[%swap3A, %swap3A_13] : memref<512x256xf32, #tpu.memory_space<vmem>>, vector<512x256xf32>
    tpu.vector_store %arg5[%swap3A, %swap3A_13], %add3A_12 {strides = array<i32>} : memref<512x256xf32, #tpu.memory_space<vmem>>, vector<512x256xf32>,
    return
  }
  func.func @transform_0(%arg0: i32) -> (i32, i32) {
    %c0_i32 = arith.constant 0 : i32
    %c0_i32_0 = arith.constant 0 : i32
    return %arg0, %c0_i32 : i32, i32
  }
  func.func @transform_1(%arg0: i32) -> (i32, i32) {
    %c0_i32 = arith.constant 0 : i32
    %c0_i32_0 = arith.constant 0 : i32
    return %arg0, %c0_i32 : i32, i32
  }
  func.func @transform_2(%arg0: i32) -> (i32, i32) {
    %c0_i32 = arith.constant 0 : i32
    %c0_i32_0 = arith.constant 0 : i32
    %c0_i32_1 = arith.constant 0 : i32
    return %c0_i32, %c0_i32_0 : i32, i32
  }
  func.func @transform_3(%arg0: i32) -> (i32, i32) {
    %c0_i32 = arith.constant 0 : i32
    %c0_i32_0 = arith.constant 0 : i32
    %c0_i32_1 = arith.constant 0 : i32
    return %c0_i32, %c0_i32_0 : i32, i32
  }
  func.func @transform_4(%arg0: i32) -> (i32, i32) {
    %c0_i32 = arith.constant 0 : i32
    %c0_i32_0 = arith.constant 0 : i32
    return %arg0, %c0_i32 : i32, i32
  }
}

module attributes {stable_mosaic.version = 14 : i64} {
  func.func @_k3b_body(%arg0: i32, %arg1: memref<512x256xf32, #tpu.memory_space<vmem>>, %arg2: memref<512x128xf32, #tpu.memory_space<vmem>>, %arg3: memref<512x128xf32, #tpu.memory_space<vmem>>, %arg4: memref<1x256xf32, #tpu.memory_space<vmem>>, %arg5: memref<1x256xf32, #tpu.memory_space<vmem>>, %arg6: memref<256x128xf32, #tpu.memory_space<vmem>>, %arg7: memref<1x128xf32, #tpu.memory_space<vmem>>, %arg8: memref<512x128xf32, #tpu.memory_space<vmem>>, %arg9: memref<512x256xf32, #tpu.memory_space<vmem>>, %arg10: memref<256x256xf32, #tpu.memory_space<vmem>>, %arg11: memref<256x256xf32, #tpu.memory_space<vmem>>, %arg12: memref<1x256xf32, #tpu.memory_space<vmem>>, %arg13: memref<256x256xf32, #tpu.memory_space<vmem>>, %arg14: memref<1x256xf32, #tpu.memory_space<vmem>>, %arg15: memref<512x128xf32, #tpu.memory_space<vmem>>, %arg16: memref<512x256xf32, #tpu.memory_space<vmem>>, %arg17: memref<512x256xf32, #tpu.memory_space<vmem>>) attributes {dimension_semantics = [#tpu.dimension_semantics<arbitrary>], iteration_bounds = array<i64: 1>, scalar_prefetch = 0 : i64, scratch_operands = 0 : i64, tpu.core_type = #tpu.core_type<tc>, window_params = [{pipeline_mode = #tpu.pipeline_mode<synchronous>, transform_indices = @transform_0, window_bounds = array<i64: 512, 256>}, {pipeline_mode = #tpu.pipeline_mode<synchronous>, transform_indices = @transform_1, window_bounds = array<i64: 512, 128>}, {pipeline_mode = #tpu.pipeline_mode<synchronous>, transform_indices = @transform_2, window_bounds = array<i64: 512, 128>}, {pipeline_mode = #tpu.pipeline_mode<synchronous>, transform_indices = @transform_3, window_bounds = array<i64: 1, 256>}, {pipeline_mode = #tpu.pipeline_mode<synchronous>, transform_indices = @transform_4, window_bounds = array<i64: 1, 256>}, {pipeline_mode = #tpu.pipeline_mode<synchronous>, transform_indices = @transform_5, window_bounds = array<i64: 256, 128>}, {pipeline_mode = #tpu.pipeline_mode<synchronous>, transform_indices = @transform_6, window_bounds = array<i64: 1, 128>}, {pipeline_mode = #tpu.pipeline_mode<synchronous>, transform_indices = @transform_7, window_bounds = array<i64: 512, 128>}, {pipeline_mode = #tpu.pipeline_mode<synchronous>, transform_indices = @transform_8, window_bounds = array<i64: 512, 256>}, {pipeline_mode = #tpu.pipeline_mode<synchronous>, transform_indices = @transform_9, window_bounds = array<i64: 256, 256>}, {pipeline_mode = #tpu.pipeline_mode<synchronous>, transform_indices = @transform_10, window_bounds = array<i64: 256, 256>}, {pipeline_mode = #tpu.pipeline_mode<synchronous>, transform_indices = @transform_11, window_bounds = array<i64: 1, 256>}, {pipeline_mode = #tpu.pipeline_mode<synchronous>, transform_indices = @transform_12, window_bounds = array<i64: 256, 256>}, {pipeline_mode = #tpu.pipeline_mode<synchronous>, transform_indices = @transform_13, window_bounds = array<i64: 1, 256>}, {pipeline_mode = #tpu.pipeline_mode<synchronous>, transform_indices = @transform_14, window_bounds = array<i64: 512, 128>}, {pipeline_mode = #tpu.pipeline_mode<synchronous>, transform_indices = @transform_15, window_bounds = array<i64: 512, 256>}, {pipeline_mode = #tpu.pipeline_mode<synchronous>, transform_indices = @transform_16, window_bounds = array<i64: 512, 256>}]} {
    %get3A = arith.constant 0 : index
    %get3A_0 = arith.constant 0 : index
    %get3A_1 = vector.load %arg1[%get3A, %get3A_0] : memref<512x256xf32, #tpu.memory_space<vmem>>, vector<512x256xf32>
    %get3A_2 = arith.constant 0 : index
    %get3A_3 = arith.constant 0 : index
    %get3A_4 = vector.load %arg2[%get3A_2, %get3A_3] : memref<512x128xf32, #tpu.memory_space<vmem>>, vector<512x128xf32>
    %get3A_5 = arith.constant 0 : index
    %get3A_6 = arith.constant 0 : index
    %get3A_7 = vector.load %arg3[%get3A_5, %get3A_6] : memref<512x128xf32, #tpu.memory_space<vmem>>, vector<512x128xf32>
    %concatenate3A = tpu.concatenate %get3A_4, %get3A_7 in 1 : vector<512x128xf32>, vector<512x128xf32> -> vector<512x256xf32>
    %add3A = arith.addf %get3A_1, %concatenate3A : vector<512x256xf32>
    %get3A_8 = arith.constant 0 : index
    %get3A_9 = arith.constant 0 : index
    %get3A_10 = vector.load %arg4[%get3A_8, %get3A_9] : memref<1x256xf32, #tpu.memory_space<vmem>>, vector<1x256xf32>
    %get3A_11 = arith.constant 0 : index
    %get3A_12 = arith.constant 0 : index
    %get3A_13 = vector.load %arg5[%get3A_11, %get3A_12] : memref<1x256xf32, #tpu.memory_space<vmem>>, vector<1x256xf32>
    %reduce_sum3A = arith.constant dense<0.000000e+00> : vector<512xf32>
    %reduce_sum3A_14 = vector.multi_reduction <add>, %add3A, %reduce_sum3A [1] : vector<512x256xf32> to vector<512xf32>
    %broadcast_in_dim3A = vector.shape_cast %reduce_sum3A_14 : vector<512xf32> to vector<512x1xf32>
    %div3A = arith.constant 2.560000e+02 : f32
    %div3A_15 = vector.broadcast %div3A : f32 to vector<512x1xf32>
    %div3A_16 = arith.divf %broadcast_in_dim3A, %div3A_15 : vector<512x1xf32>
    %sub3A = vector.broadcast %div3A_16 : vector<512x1xf32> to vector<512x256xf32>
    %sub3A_17 = arith.subf %add3A, %sub3A : vector<512x256xf32>
    %integer_pow3A = arith.mulf %sub3A_17, %sub3A_17 : vector<512x256xf32>
    %reduce_sum3A_18 = arith.constant dense<0.000000e+00> : vector<512xf32>
    %reduce_sum3A_19 = vector.multi_reduction <add>, %integer_pow3A, %reduce_sum3A_18 [1] : vector<512x256xf32> to vector<512xf32>
    %broadcast_in_dim3A_20 = vector.shape_cast %reduce_sum3A_19 : vector<512xf32> to vector<512x1xf32>
    %div3A_21 = arith.constant 2.560000e+02 : f32
    %div3A_22 = vector.broadcast %div3A_21 : f32 to vector<512x1xf32>
    %div3A_23 = arith.divf %broadcast_in_dim3A_20, %div3A_22 : vector<512x1xf32>
    %sub3A_24 = vector.broadcast %div3A_16 : vector<512x1xf32> to vector<512x256xf32>
    %sub3A_25 = arith.subf %add3A, %sub3A_24 : vector<512x256xf32>
    %add3A_26 = arith.constant 9.99999974E-6 : f32
    %add3A_27 = vector.broadcast %add3A_26 : f32 to vector<512x1xf32>
    %add3A_28 = arith.addf %div3A_23, %add3A_27 : vector<512x1xf32>
    %sqrt3A = math.sqrt %add3A_28 : vector<512x1xf32>
    %div3A_29 = vector.broadcast %sqrt3A : vector<512x1xf32> to vector<512x256xf32>
    %div3A_30 = arith.divf %sub3A_25, %div3A_29 : vector<512x256xf32>
    %mul3A = vector.broadcast %get3A_10 : vector<1x256xf32> to vector<512x256xf32>
    %mul3A_31 = arith.mulf %div3A_30, %mul3A : vector<512x256xf32>
    %add3A_32 = vector.broadcast %get3A_13 : vector<1x256xf32> to vector<512x256xf32>
    %add3A_33 = arith.addf %mul3A_31, %add3A_32 : vector<512x256xf32>
    %gt3A = arith.constant 0.000000e+00 : f32
    %gt3A_34 = vector.broadcast %gt3A : f32 to vector<512x256xf32>
    %gt3A_35 = arith.cmpf ogt, %add3A_33, %gt3A_34 : vector<512x256xf32>
    %exp3A = math.exp %add3A_33 : vector<512x256xf32>
    %sub3A_36 = arith.constant 1.000000e+00 : f32
    %sub3A_37 = vector.broadcast %sub3A_36 : f32 to vector<512x256xf32>
    %sub3A_38 = arith.subf %exp3A, %sub3A_37 : vector<512x256xf32>
    %select_n3A = arith.select %gt3A_35, %add3A_33, %sub3A_38 : vector<512x256xi1>, vector<512x256xf32>
    %get3A_39 = arith.constant 0 : index
    %get3A_40 = arith.constant 0 : index
    %get3A_41 = vector.load %arg6[%get3A_39, %get3A_40] : memref<256x128xf32, #tpu.memory_space<vmem>>, vector<256x128xf32>
    %dot_general3A = arith.constant dense<0.000000e+00> : vector<512x128xf32>
    %dot_general3A_42 = tpu.matmul %select_n3A, %get3A_41, %dot_general3A {dimension_numbers = #tpu.dot_dimension_numbers<[1], [0], [0], [1], [0, 0, 1, 1], [], []>, transpose_lhs_hint = false} : vector<512x256xf32>, vector<256x128xf32>, vector<512x128xf32> -> vector<512x128xf32>
    %get3A_43 = arith.constant 0 : index
    %get3A_44 = arith.constant 0 : index
    %get3A_45 = vector.load %arg7[%get3A_43, %get3A_44] : memref<1x128xf32, #tpu.memory_space<vmem>>, vector<1x128xf32>
    %add3A_46 = vector.broadcast %get3A_45 : vector<1x128xf32> to vector<512x128xf32>
    %add3A_47 = arith.addf %dot_general3A_42, %add3A_46 : vector<512x128xf32>
    %get3A_48 = arith.constant 0 : index
    %get3A_49 = arith.constant 0 : index
    %get3A_50 = vector.load %arg8[%get3A_48, %get3A_49] : memref<512x128xf32, #tpu.memory_space<vmem>>, vector<512x128xf32>
    %add3A_51 = arith.addf %add3A_47, %get3A_50 : vector<512x128xf32>
    %swap3A = arith.constant 0 : index
    %swap3A_52 = arith.constant 0 : index
    %swap3A_53 = vector.load %arg15[%swap3A, %swap3A_52] : memref<512x128xf32, #tpu.memory_space<vmem>>, vector<512x128xf32>
    tpu.vector_store %arg15[%swap3A, %swap3A_52], %add3A_51 {strides = array<i32>} : memref<512x128xf32, #tpu.memory_space<vmem>>, vector<512x128xf32>,
    %get3A_54 = arith.constant 0 : index
    %get3A_55 = arith.constant 0 : index
    %get3A_56 = vector.load %arg9[%get3A_54, %get3A_55] : memref<512x256xf32, #tpu.memory_space<vmem>>, vector<512x256xf32>
    %add3A_57 = arith.addf %select_n3A, %get3A_56 : vector<512x256xf32>
    %get3A_58 = arith.constant 0 : index
    %get3A_59 = arith.constant 0 : index
    %get3A_60 = vector.load %arg10[%get3A_58, %get3A_59] : memref<256x256xf32, #tpu.memory_space<vmem>>, vector<256x256xf32>
    %dot_general3A_61 = arith.constant dense<0.000000e+00> : vector<512x256xf32>
    %dot_general3A_62 = tpu.matmul %add3A_57, %get3A_60, %dot_general3A_61 {dimension_numbers = #tpu.dot_dimension_numbers<[1], [0], [0], [1], [0, 0, 1, 1], [], []>, transpose_lhs_hint = false} : vector<512x256xf32>, vector<256x256xf32>, vector<512x256xf32> -> vector<512x256xf32>
    %swap3A_63 = arith.constant 0 : index
    %swap3A_64 = arith.constant 0 : index
    %swap3A_65 = vector.load %arg16[%swap3A_63, %swap3A_64] : memref<512x256xf32, #tpu.memory_space<vmem>>, vector<512x256xf32>
    tpu.vector_store %arg16[%swap3A_63, %swap3A_64], %dot_general3A_62 {strides = array<i32>} : memref<512x256xf32, #tpu.memory_space<vmem>>, vector<512x256xf32>,
    %get3A_66 = arith.constant 0 : index
    %get3A_67 = arith.constant 0 : index
    %get3A_68 = vector.load %arg11[%get3A_66, %get3A_67] : memref<256x256xf32, #tpu.memory_space<vmem>>, vector<256x256xf32>
    %dot_general3A_69 = arith.constant dense<0.000000e+00> : vector<512x256xf32>
    %dot_general3A_70 = tpu.matmul %add3A_57, %get3A_68, %dot_general3A_69 {dimension_numbers = #tpu.dot_dimension_numbers<[1], [0], [0], [1], [0, 0, 1, 1], [], []>, transpose_lhs_hint = false} : vector<512x256xf32>, vector<256x256xf32>, vector<512x256xf32> -> vector<512x256xf32>
    %add3A_71 = arith.addf %dot_general3A_70, %dot_general3A_62 : vector<512x256xf32>
    %get3A_72 = arith.constant 0 : index
    %get3A_73 = arith.constant 0 : index
    %get3A_74 = vector.load %arg12[%get3A_72, %get3A_73] : memref<1x256xf32, #tpu.memory_space<vmem>>, vector<1x256xf32>
    %add3A_75 = vector.broadcast %get3A_74 : vector<1x256xf32> to vector<512x256xf32>
    %add3A_76 = arith.addf %add3A_71, %add3A_75 : vector<512x256xf32>
    %get3A_77 = arith.constant 0 : index
    %get3A_78 = arith.constant 0 : index
    %get3A_79 = vector.load %arg4[%get3A_77, %get3A_78] : memref<1x256xf32, #tpu.memory_space<vmem>>, vector<1x256xf32>
    %get3A_80 = arith.constant 0 : index
    %get3A_81 = arith.constant 0 : index
    %get3A_82 = vector.load %arg5[%get3A_80, %get3A_81] : memref<1x256xf32, #tpu.memory_space<vmem>>, vector<1x256xf32>
    %reduce_sum3A_83 = arith.constant dense<0.000000e+00> : vector<512xf32>
    %reduce_sum3A_84 = vector.multi_reduction <add>, %add3A_76, %reduce_sum3A_83 [1] : vector<512x256xf32> to vector<512xf32>
    %broadcast_in_dim3A_85 = vector.shape_cast %reduce_sum3A_84 : vector<512xf32> to vector<512x1xf32>
    %div3A_86 = arith.constant 2.560000e+02 : f32
    %div3A_87 = vector.broadcast %div3A_86 : f32 to vector<512x1xf32>
    %div3A_88 = arith.divf %broadcast_in_dim3A_85, %div3A_87 : vector<512x1xf32>
    %sub3A_89 = vector.broadcast %div3A_88 : vector<512x1xf32> to vector<512x256xf32>
    %sub3A_90 = arith.subf %add3A_76, %sub3A_89 : vector<512x256xf32>
    %integer_pow3A_91 = arith.mulf %sub3A_90, %sub3A_90 : vector<512x256xf32>
    %reduce_sum3A_92 = arith.constant dense<0.000000e+00> : vector<512xf32>
    %reduce_sum3A_93 = vector.multi_reduction <add>, %integer_pow3A_91, %reduce_sum3A_92 [1] : vector<512x256xf32> to vector<512xf32>
    %broadcast_in_dim3A_94 = vector.shape_cast %reduce_sum3A_93 : vector<512xf32> to vector<512x1xf32>
    %div3A_95 = arith.constant 2.560000e+02 : f32
    %div3A_96 = vector.broadcast %div3A_95 : f32 to vector<512x1xf32>
    %div3A_97 = arith.divf %broadcast_in_dim3A_94, %div3A_96 : vector<512x1xf32>
    %sub3A_98 = vector.broadcast %div3A_88 : vector<512x1xf32> to vector<512x256xf32>
    %sub3A_99 = arith.subf %add3A_76, %sub3A_98 : vector<512x256xf32>
    %add3A_100 = arith.constant 9.99999974E-6 : f32
    %add3A_101 = vector.broadcast %add3A_100 : f32 to vector<512x1xf32>
    %add3A_102 = arith.addf %div3A_97, %add3A_101 : vector<512x1xf32>
    %sqrt3A_103 = math.sqrt %add3A_102 : vector<512x1xf32>
    %div3A_104 = vector.broadcast %sqrt3A_103 : vector<512x1xf32> to vector<512x256xf32>
    %div3A_105 = arith.divf %sub3A_99, %div3A_104 : vector<512x256xf32>
    %mul3A_106 = vector.broadcast %get3A_79 : vector<1x256xf32> to vector<512x256xf32>
    %mul3A_107 = arith.mulf %div3A_105, %mul3A_106 : vector<512x256xf32>
    %add3A_108 = vector.broadcast %get3A_82 : vector<1x256xf32> to vector<512x256xf32>
    %add3A_109 = arith.addf %mul3A_107, %add3A_108 : vector<512x256xf32>
    %gt3A_110 = arith.constant 0.000000e+00 : f32
    %gt3A_111 = vector.broadcast %gt3A_110 : f32 to vector<512x256xf32>
    %gt3A_112 = arith.cmpf ogt, %add3A_109, %gt3A_111 : vector<512x256xf32>
    %exp3A_113 = math.exp %add3A_109 : vector<512x256xf32>
    %sub3A_114 = arith.constant 1.000000e+00 : f32
    %sub3A_115 = vector.broadcast %sub3A_114 : f32 to vector<512x256xf32>
    %sub3A_116 = arith.subf %exp3A_113, %sub3A_115 : vector<512x256xf32>
    %select_n3A_117 = arith.select %gt3A_112, %add3A_109, %sub3A_116 : vector<512x256xi1>, vector<512x256xf32>
    %get3A_118 = arith.constant 0 : index
    %get3A_119 = arith.constant 0 : index
    %get3A_120 = vector.load %arg13[%get3A_118, %get3A_119] : memref<256x256xf32, #tpu.memory_space<vmem>>, vector<256x256xf32>
    %dot_general3A_121 = arith.constant dense<0.000000e+00> : vector<512x256xf32>
    %dot_general3A_122 = tpu.matmul %select_n3A_117, %get3A_120, %dot_general3A_121 {dimension_numbers = #tpu.dot_dimension_numbers<[1], [0], [0], [1], [0, 0, 1, 1], [], []>, transpose_lhs_hint = false} : vector<512x256xf32>, vector<256x256xf32>, vector<512x256xf32> -> vector<512x256xf32>
    %get3A_123 = arith.constant 0 : index
    %get3A_124 = arith.constant 0 : index
    %get3A_125 = vector.load %arg14[%get3A_123, %get3A_124] : memref<1x256xf32, #tpu.memory_space<vmem>>, vector<1x256xf32>
    %add3A_126 = vector.broadcast %get3A_125 : vector<1x256xf32> to vector<512x256xf32>
    %add3A_127 = arith.addf %dot_general3A_122, %add3A_126 : vector<512x256xf32>
    %swap3A_128 = arith.constant 0 : index
    %swap3A_129 = arith.constant 0 : index
    %swap3A_130 = vector.load %arg17[%swap3A_128, %swap3A_129] : memref<512x256xf32, #tpu.memory_space<vmem>>, vector<512x256xf32>
    tpu.vector_store %arg17[%swap3A_128, %swap3A_129], %add3A_127 {strides = array<i32>} : memref<512x256xf32, #tpu.memory_space<vmem>>, vector<512x256xf32>,
    return
  }
  func.func @transform_0(%arg0: i32) -> (i32, i32) {
    %c0_i32 = arith.constant 0 : i32
    %c0_i32_0 = arith.constant 0 : i32
    %c0_i32_1 = arith.constant 0 : i32
    return %c0_i32, %c0_i32_0 : i32, i32
  }
  func.func @transform_1(%arg0: i32) -> (i32, i32) {
    %c0_i32 = arith.constant 0 : i32
    %c0_i32_0 = arith.constant 0 : i32
    %c0_i32_1 = arith.constant 0 : i32
    return %c0_i32, %c0_i32_0 : i32, i32
  }
  func.func @transform_2(%arg0: i32) -> (i32, i32) {
    %c0_i32 = arith.constant 0 : i32
    %c0_i32_0 = arith.constant 0 : i32
    %c0_i32_1 = arith.constant 0 : i32
    return %c0_i32, %c0_i32_0 : i32, i32
  }
  func.func @transform_3(%arg0: i32) -> (i32, i32) {
    %c0_i32 = arith.constant 0 : i32
    %c0_i32_0 = arith.constant 0 : i32
    %c0_i32_1 = arith.constant 0 : i32
    return %c0_i32, %c0_i32_0 : i32, i32
  }
  func.func @transform_4(%arg0: i32) -> (i32, i32) {
    %c0_i32 = arith.constant 0 : i32
    %c0_i32_0 = arith.constant 0 : i32
    %c0_i32_1 = arith.constant 0 : i32
    return %c0_i32, %c0_i32_0 : i32, i32
  }
  func.func @transform_5(%arg0: i32) -> (i32, i32) {
    %c0_i32 = arith.constant 0 : i32
    %c0_i32_0 = arith.constant 0 : i32
    %c0_i32_1 = arith.constant 0 : i32
    return %c0_i32, %c0_i32_0 : i32, i32
  }
  func.func @transform_6(%arg0: i32) -> (i32, i32) {
    %c0_i32 = arith.constant 0 : i32
    %c0_i32_0 = arith.constant 0 : i32
    %c0_i32_1 = arith.constant 0 : i32
    return %c0_i32, %c0_i32_0 : i32, i32
  }
  func.func @transform_7(%arg0: i32) -> (i32, i32) {
    %c0_i32 = arith.constant 0 : i32
    %c0_i32_0 = arith.constant 0 : i32
    %c0_i32_1 = arith.constant 0 : i32
    return %c0_i32, %c0_i32_0 : i32, i32
  }
  func.func @transform_8(%arg0: i32) -> (i32, i32) {
    %c0_i32 = arith.constant 0 : i32
    %c0_i32_0 = arith.constant 0 : i32
    %c0_i32_1 = arith.constant 0 : i32
    return %c0_i32, %c0_i32_0 : i32, i32
  }
  func.func @transform_9(%arg0: i32) -> (i32, i32) {
    %c0_i32 = arith.constant 0 : i32
    %c0_i32_0 = arith.constant 0 : i32
    %c0_i32_1 = arith.constant 0 : i32
    return %c0_i32, %c0_i32_0 : i32, i32
  }
  func.func @transform_10(%arg0: i32) -> (i32, i32) {
    %c0_i32 = arith.constant 0 : i32
    %c0_i32_0 = arith.constant 0 : i32
    %c0_i32_1 = arith.constant 0 : i32
    return %c0_i32, %c0_i32_0 : i32, i32
  }
  func.func @transform_11(%arg0: i32) -> (i32, i32) {
    %c0_i32 = arith.constant 0 : i32
    %c0_i32_0 = arith.constant 0 : i32
    %c0_i32_1 = arith.constant 0 : i32
    return %c0_i32, %c0_i32_0 : i32, i32
  }
  func.func @transform_12(%arg0: i32) -> (i32, i32) {
    %c0_i32 = arith.constant 0 : i32
    %c0_i32_0 = arith.constant 0 : i32
    %c0_i32_1 = arith.constant 0 : i32
    return %c0_i32, %c0_i32_0 : i32, i32
  }
  func.func @transform_13(%arg0: i32) -> (i32, i32) {
    %c0_i32 = arith.constant 0 : i32
    %c0_i32_0 = arith.constant 0 : i32
    %c0_i32_1 = arith.constant 0 : i32
    return %c0_i32, %c0_i32_0 : i32, i32
  }
  func.func @transform_14(%arg0: i32) -> (i32, i32) {
    %c0_i32 = arith.constant 0 : i32
    %c0_i32_0 = arith.constant 0 : i32
    %c0_i32_1 = arith.constant 0 : i32
    return %c0_i32, %c0_i32_0 : i32, i32
  }
  func.func @transform_15(%arg0: i32) -> (i32, i32) {
    %c0_i32 = arith.constant 0 : i32
    %c0_i32_0 = arith.constant 0 : i32
    %c0_i32_1 = arith.constant 0 : i32
    return %c0_i32, %c0_i32_0 : i32, i32
  }
  func.func @transform_16(%arg0: i32) -> (i32, i32) {
    %c0_i32 = arith.constant 0 : i32
    %c0_i32_0 = arith.constant 0 : i32
    %c0_i32_1 = arith.constant 0 : i32
    return %c0_i32, %c0_i32_0 : i32, i32
  }
}

module attributes {stable_mosaic.version = 14 : i64} {
  func.func @_k4_body(%arg0: i32, %arg1: memref<1024x256xf32, #tpu.memory_space<vmem>>, %arg2: memref<1024x128xf32, #tpu.memory_space<vmem>>, %arg3: memref<1024x128xf32, #tpu.memory_space<vmem>>, %arg4: memref<1x256xf32, #tpu.memory_space<vmem>>, %arg5: memref<1x256xf32, #tpu.memory_space<vmem>>, %arg6: memref<256x128xf32, #tpu.memory_space<vmem>>, %arg7: memref<1x128xf32, #tpu.memory_space<vmem>>, %arg8: memref<512x128xf32, #tpu.memory_space<vmem>>, %arg9: memref<512x256xf32, #tpu.memory_space<vmem>>, %arg10: memref<256x256xf32, #tpu.memory_space<vmem>>, %arg11: memref<1x256xf32, #tpu.memory_space<vmem>>, %arg12: memref<256x256xf32, #tpu.memory_space<vmem>>, %arg13: memref<1x256xf32, #tpu.memory_space<vmem>>, %arg14: memref<1024x256xf32, #tpu.memory_space<vmem>>, %arg15: memref<1024x128xi32, #tpu.memory_space<vmem>>) attributes {dimension_semantics = [#tpu.dimension_semantics<arbitrary>], iteration_bounds = array<i64: 10>, scalar_prefetch = 0 : i64, scratch_operands = 0 : i64, tpu.core_type = #tpu.core_type<tc>, window_params = [{transform_indices = @transform_0, window_bounds = array<i64: 1024, 256>}, {transform_indices = @transform_1, window_bounds = array<i64: 1024, 128>}, {transform_indices = @transform_2, window_bounds = array<i64: 1024, 128>}, {pipeline_mode = #tpu.pipeline_mode<synchronous>, transform_indices = @transform_3, window_bounds = array<i64: 1, 256>}, {pipeline_mode = #tpu.pipeline_mode<synchronous>, transform_indices = @transform_4, window_bounds = array<i64: 1, 256>}, {pipeline_mode = #tpu.pipeline_mode<synchronous>, transform_indices = @transform_5, window_bounds = array<i64: 256, 128>}, {pipeline_mode = #tpu.pipeline_mode<synchronous>, transform_indices = @transform_6, window_bounds = array<i64: 1, 128>}, {pipeline_mode = #tpu.pipeline_mode<synchronous>, transform_indices = @transform_7, window_bounds = array<i64: 512, 128>}, {pipeline_mode = #tpu.pipeline_mode<synchronous>, transform_indices = @transform_8, window_bounds = array<i64: 512, 256>}, {pipeline_mode = #tpu.pipeline_mode<synchronous>, transform_indices = @transform_9, window_bounds = array<i64: 256, 256>}, {pipeline_mode = #tpu.pipeline_mode<synchronous>, transform_indices = @transform_10, window_bounds = array<i64: 1, 256>}, {pipeline_mode = #tpu.pipeline_mode<synchronous>, transform_indices = @transform_11, window_bounds = array<i64: 256, 256>}, {pipeline_mode = #tpu.pipeline_mode<synchronous>, transform_indices = @transform_12, window_bounds = array<i64: 1, 256>}, {transform_indices = @transform_13, window_bounds = array<i64: 1024, 256>}, {transform_indices = @transform_14, window_bounds = array<i64: 1024, 128>}]} {
    %get3A = arith.constant 0 : index
    %get3A_0 = arith.constant 0 : index
    %get3A_1 = vector.load %arg1[%get3A, %get3A_0] : memref<1024x256xf32, #tpu.memory_space<vmem>>, vector<1024x256xf32>
    %get3A_2 = arith.constant 0 : index
    %get3A_3 = arith.constant 0 : index
    %get3A_4 = vector.load %arg2[%get3A_2, %get3A_3] : memref<1024x128xf32, #tpu.memory_space<vmem>>, vector<1024x128xf32>
    %get3A_5 = arith.constant 0 : index
    %get3A_6 = arith.constant 0 : index
    %get3A_7 = vector.load %arg3[%get3A_5, %get3A_6] : memref<1024x128xf32, #tpu.memory_space<vmem>>, vector<1024x128xf32>
    %concatenate3A = tpu.concatenate %get3A_4, %get3A_7 in 1 : vector<1024x128xf32>, vector<1024x128xf32> -> vector<1024x256xf32>
    %add3A = arith.addf %get3A_1, %concatenate3A : vector<1024x256xf32>
    %get3A_8 = arith.constant 0 : index
    %get3A_9 = arith.constant 0 : index
    %get3A_10 = vector.load %arg4[%get3A_8, %get3A_9] : memref<1x256xf32, #tpu.memory_space<vmem>>, vector<1x256xf32>
    %get3A_11 = arith.constant 0 : index
    %get3A_12 = arith.constant 0 : index
    %get3A_13 = vector.load %arg5[%get3A_11, %get3A_12] : memref<1x256xf32, #tpu.memory_space<vmem>>, vector<1x256xf32>
    %reduce_sum3A = arith.constant dense<0.000000e+00> : vector<1024xf32>
    %reduce_sum3A_14 = vector.multi_reduction <add>, %add3A, %reduce_sum3A [1] : vector<1024x256xf32> to vector<1024xf32>
    %broadcast_in_dim3A = vector.shape_cast %reduce_sum3A_14 : vector<1024xf32> to vector<1024x1xf32>
    %div3A = arith.constant 2.560000e+02 : f32
    %div3A_15 = vector.broadcast %div3A : f32 to vector<1024x1xf32>
    %div3A_16 = arith.divf %broadcast_in_dim3A, %div3A_15 : vector<1024x1xf32>
    %sub3A = vector.broadcast %div3A_16 : vector<1024x1xf32> to vector<1024x256xf32>
    %sub3A_17 = arith.subf %add3A, %sub3A : vector<1024x256xf32>
    %integer_pow3A = arith.mulf %sub3A_17, %sub3A_17 : vector<1024x256xf32>
    %reduce_sum3A_18 = arith.constant dense<0.000000e+00> : vector<1024xf32>
    %reduce_sum3A_19 = vector.multi_reduction <add>, %integer_pow3A, %reduce_sum3A_18 [1] : vector<1024x256xf32> to vector<1024xf32>
    %broadcast_in_dim3A_20 = vector.shape_cast %reduce_sum3A_19 : vector<1024xf32> to vector<1024x1xf32>
    %div3A_21 = arith.constant 2.560000e+02 : f32
    %div3A_22 = vector.broadcast %div3A_21 : f32 to vector<1024x1xf32>
    %div3A_23 = arith.divf %broadcast_in_dim3A_20, %div3A_22 : vector<1024x1xf32>
    %sub3A_24 = vector.broadcast %div3A_16 : vector<1024x1xf32> to vector<1024x256xf32>
    %sub3A_25 = arith.subf %add3A, %sub3A_24 : vector<1024x256xf32>
    %add3A_26 = arith.constant 9.99999974E-6 : f32
    %add3A_27 = vector.broadcast %add3A_26 : f32 to vector<1024x1xf32>
    %add3A_28 = arith.addf %div3A_23, %add3A_27 : vector<1024x1xf32>
    %sqrt3A = math.sqrt %add3A_28 : vector<1024x1xf32>
    %div3A_29 = vector.broadcast %sqrt3A : vector<1024x1xf32> to vector<1024x256xf32>
    %div3A_30 = arith.divf %sub3A_25, %div3A_29 : vector<1024x256xf32>
    %mul3A = vector.broadcast %get3A_10 : vector<1x256xf32> to vector<1024x256xf32>
    %mul3A_31 = arith.mulf %div3A_30, %mul3A : vector<1024x256xf32>
    %add3A_32 = vector.broadcast %get3A_13 : vector<1x256xf32> to vector<1024x256xf32>
    %add3A_33 = arith.addf %mul3A_31, %add3A_32 : vector<1024x256xf32>
    %gt3A = arith.constant 0.000000e+00 : f32
    %gt3A_34 = vector.broadcast %gt3A : f32 to vector<1024x256xf32>
    %gt3A_35 = arith.cmpf ogt, %add3A_33, %gt3A_34 : vector<1024x256xf32>
    %exp3A = math.exp %add3A_33 : vector<1024x256xf32>
    %sub3A_36 = arith.constant 1.000000e+00 : f32
    %sub3A_37 = vector.broadcast %sub3A_36 : f32 to vector<1024x256xf32>
    %sub3A_38 = arith.subf %exp3A, %sub3A_37 : vector<1024x256xf32>
    %select_n3A = arith.select %gt3A_35, %add3A_33, %sub3A_38 : vector<1024x256xi1>, vector<1024x256xf32>
    %get3A_39 = arith.constant 0 : index
    %get3A_40 = arith.constant 0 : index
    %get3A_41 = vector.load %arg6[%get3A_39, %get3A_40] : memref<256x128xf32, #tpu.memory_space<vmem>>, vector<256x128xf32>
    %dot_general3A = arith.constant dense<0.000000e+00> : vector<1024x128xf32>
    %dot_general3A_42 = tpu.matmul %select_n3A, %get3A_41, %dot_general3A {dimension_numbers = #tpu.dot_dimension_numbers<[1], [0], [0], [1], [0, 0, 1, 1], [], []>, transpose_lhs_hint = false} : vector<1024x256xf32>, vector<256x128xf32>, vector<1024x128xf32> -> vector<1024x128xf32>
    %get3A_43 = arith.constant 0 : index
    %get3A_44 = arith.constant 0 : index
    %get3A_45 = vector.load %arg7[%get3A_43, %get3A_44] : memref<1x128xf32, #tpu.memory_space<vmem>>, vector<1x128xf32>
    %add3A_46 = vector.broadcast %get3A_45 : vector<1x128xf32> to vector<1024x128xf32>
    %add3A_47 = arith.addf %dot_general3A_42, %add3A_46 : vector<1024x128xf32>
    %get3A_48 = arith.constant 0 : index
    %get3A_49 = arith.constant 0 : index
    %get3A_50 = vector.load %arg8[%get3A_48, %get3A_49] : memref<512x128xf32, #tpu.memory_space<vmem>>, vector<512x128xf32>
    %dot_general3A_51 = arith.constant dense<0.000000e+00> : vector<1024x512xf32>
    %dot_general3A_52 = tpu.matmul %add3A_47, %get3A_50, %dot_general3A_51 {dimension_numbers = #tpu.dot_dimension_numbers<[1], [1], [0], [0], [0, 0, 1, 0], [], []>, transpose_lhs_hint = false} : vector<1024x128xf32>, vector<512x128xf32>, vector<1024x512xf32> -> vector<1024x512xf32>
    %reduce_max3A = arith.constant dense<0xFF800000> : vector<1024xf32>
    %reduce_max3A_53 = vector.multi_reduction <maximumf>, %dot_general3A_52, %reduce_max3A [1] : vector<1024x512xf32> to vector<1024xf32>
    %broadcast_in_dim3A_54 = vector.shape_cast %reduce_max3A_53 : vector<1024xf32> to vector<1024x1xf32>
    %iota3A = tpu.iota {dimensions = array<i32: 1>} : vector<1024x512xi32>
    %ge3A = vector.broadcast %broadcast_in_dim3A_54 : vector<1024x1xf32> to vector<1024x512xf32>
    %ge3A_55 = arith.cmpf oge, %dot_general3A_52, %ge3A : vector<1024x512xf32>
    %jit3A = arith.constant 512 : i32
    %broadcast_in_dim3A_56 = vector.broadcast %jit3A : i32 to vector<1024x512xi32>
    %select_n3A_57 = arith.select %ge3A_55, %iota3A, %broadcast_in_dim3A_56 : vector<1024x512xi1>, vector<1024x512xi32>
    %reduce_min3A = arith.constant dense<2147483647> : vector<1024xi32>
    %reduce_min3A_58 = vector.multi_reduction <minsi>, %select_n3A_57, %reduce_min3A [1] : vector<1024x512xi32> to vector<1024xi32>
    %broadcast_in_dim3A_59 = vector.shape_cast %reduce_min3A_58 : vector<1024xi32> to vector<1024x1xi32>
    %eq3A = vector.broadcast %broadcast_in_dim3A_59 : vector<1024x1xi32> to vector<1024x512xi32>
    %eq3A_60 = arith.cmpi eq, %iota3A, %eq3A : vector<1024x512xi32>
    %convert_element_type3A = arith.extui %eq3A_60 : vector<1024x512xi1> to vector<1024x512xi32>
    %convert_element_type3A_61 = arith.sitofp %convert_element_type3A : vector<1024x512xi32> to vector<1024x512xf32>
    %get3A_62 = arith.constant 0 : index
    %get3A_63 = arith.constant 0 : index
    %get3A_64 = vector.load %arg9[%get3A_62, %get3A_63] : memref<512x256xf32, #tpu.memory_space<vmem>>, vector<512x256xf32>
    %dot_general3A_65 = arith.constant dense<0.000000e+00> : vector<1024x256xf32>
    %dot_general3A_66 = tpu.matmul %convert_element_type3A_61, %get3A_64, %dot_general3A_65 {dimension_numbers = #tpu.dot_dimension_numbers<[1], [0], [0], [1], [0, 0, 1, 1], [], []>, transpose_lhs_hint = false} : vector<1024x512xf32>, vector<512x256xf32>, vector<1024x256xf32> -> vector<1024x256xf32>
    %get3A_67 = arith.constant 0 : index
    %get3A_68 = arith.constant 0 : index
    %get3A_69 = vector.load %arg10[%get3A_67, %get3A_68] : memref<256x256xf32, #tpu.memory_space<vmem>>, vector<256x256xf32>
    %dot_general3A_70 = arith.constant dense<0.000000e+00> : vector<1024x256xf32>
    %dot_general3A_71 = tpu.matmul %select_n3A, %get3A_69, %dot_general3A_70 {dimension_numbers = #tpu.dot_dimension_numbers<[1], [0], [0], [1], [0, 0, 1, 1], [], []>, transpose_lhs_hint = false} : vector<1024x256xf32>, vector<256x256xf32>, vector<1024x256xf32> -> vector<1024x256xf32>
    %add3A_72 = arith.addf %dot_general3A_71, %dot_general3A_66 : vector<1024x256xf32>
    %get3A_73 = arith.constant 0 : index
    %get3A_74 = arith.constant 0 : index
    %get3A_75 = vector.load %arg11[%get3A_73, %get3A_74] : memref<1x256xf32, #tpu.memory_space<vmem>>, vector<1x256xf32>
    %add3A_76 = vector.broadcast %get3A_75 : vector<1x256xf32> to vector<1024x256xf32>
    %add3A_77 = arith.addf %add3A_72, %add3A_76 : vector<1024x256xf32>
    %get3A_78 = arith.constant 0 : index
    %get3A_79 = arith.constant 0 : index
    %get3A_80 = vector.load %arg4[%get3A_78, %get3A_79] : memref<1x256xf32, #tpu.memory_space<vmem>>, vector<1x256xf32>
    %get3A_81 = arith.constant 0 : index
    %get3A_82 = arith.constant 0 : index
    %get3A_83 = vector.load %arg5[%get3A_81, %get3A_82] : memref<1x256xf32, #tpu.memory_space<vmem>>, vector<1x256xf32>
    %reduce_sum3A_84 = arith.constant dense<0.000000e+00> : vector<1024xf32>
    %reduce_sum3A_85 = vector.multi_reduction <add>, %add3A_77, %reduce_sum3A_84 [1] : vector<1024x256xf32> to vector<1024xf32>
    %broadcast_in_dim3A_86 = vector.shape_cast %reduce_sum3A_85 : vector<1024xf32> to vector<1024x1xf32>
    %div3A_87 = arith.constant 2.560000e+02 : f32
    %div3A_88 = vector.broadcast %div3A_87 : f32 to vector<1024x1xf32>
    %div3A_89 = arith.divf %broadcast_in_dim3A_86, %div3A_88 : vector<1024x1xf32>
    %sub3A_90 = vector.broadcast %div3A_89 : vector<1024x1xf32> to vector<1024x256xf32>
    %sub3A_91 = arith.subf %add3A_77, %sub3A_90 : vector<1024x256xf32>
    %integer_pow3A_92 = arith.mulf %sub3A_91, %sub3A_91 : vector<1024x256xf32>
    %reduce_sum3A_93 = arith.constant dense<0.000000e+00> : vector<1024xf32>
    %reduce_sum3A_94 = vector.multi_reduction <add>, %integer_pow3A_92, %reduce_sum3A_93 [1] : vector<1024x256xf32> to vector<1024xf32>
    %broadcast_in_dim3A_95 = vector.shape_cast %reduce_sum3A_94 : vector<1024xf32> to vector<1024x1xf32>
    %div3A_96 = arith.constant 2.560000e+02 : f32
    %div3A_97 = vector.broadcast %div3A_96 : f32 to vector<1024x1xf32>
    %div3A_98 = arith.divf %broadcast_in_dim3A_95, %div3A_97 : vector<1024x1xf32>
    %sub3A_99 = vector.broadcast %div3A_89 : vector<1024x1xf32> to vector<1024x256xf32>
    %sub3A_100 = arith.subf %add3A_77, %sub3A_99 : vector<1024x256xf32>
    %add3A_101 = arith.constant 9.99999974E-6 : f32
    %add3A_102 = vector.broadcast %add3A_101 : f32 to vector<1024x1xf32>
    %add3A_103 = arith.addf %div3A_98, %add3A_102 : vector<1024x1xf32>
    %sqrt3A_104 = math.sqrt %add3A_103 : vector<1024x1xf32>
    %div3A_105 = vector.broadcast %sqrt3A_104 : vector<1024x1xf32> to vector<1024x256xf32>
    %div3A_106 = arith.divf %sub3A_100, %div3A_105 : vector<1024x256xf32>
    %mul3A_107 = vector.broadcast %get3A_80 : vector<1x256xf32> to vector<1024x256xf32>
    %mul3A_108 = arith.mulf %div3A_106, %mul3A_107 : vector<1024x256xf32>
    %add3A_109 = vector.broadcast %get3A_83 : vector<1x256xf32> to vector<1024x256xf32>
    %add3A_110 = arith.addf %mul3A_108, %add3A_109 : vector<1024x256xf32>
    %gt3A_111 = arith.constant 0.000000e+00 : f32
    %gt3A_112 = vector.broadcast %gt3A_111 : f32 to vector<1024x256xf32>
    %gt3A_113 = arith.cmpf ogt, %add3A_110, %gt3A_112 : vector<1024x256xf32>
    %exp3A_114 = math.exp %add3A_110 : vector<1024x256xf32>
    %sub3A_115 = arith.constant 1.000000e+00 : f32
    %sub3A_116 = vector.broadcast %sub3A_115 : f32 to vector<1024x256xf32>
    %sub3A_117 = arith.subf %exp3A_114, %sub3A_116 : vector<1024x256xf32>
    %select_n3A_118 = arith.select %gt3A_113, %add3A_110, %sub3A_117 : vector<1024x256xi1>, vector<1024x256xf32>
    %get3A_119 = arith.constant 0 : index
    %get3A_120 = arith.constant 0 : index
    %get3A_121 = vector.load %arg12[%get3A_119, %get3A_120] : memref<256x256xf32, #tpu.memory_space<vmem>>, vector<256x256xf32>
    %dot_general3A_122 = arith.constant dense<0.000000e+00> : vector<1024x256xf32>
    %dot_general3A_123 = tpu.matmul %select_n3A_118, %get3A_121, %dot_general3A_122 {dimension_numbers = #tpu.dot_dimension_numbers<[1], [0], [0], [1], [0, 0, 1, 1], [], []>, transpose_lhs_hint = false} : vector<1024x256xf32>, vector<256x256xf32>, vector<1024x256xf32> -> vector<1024x256xf32>
    %get3A_124 = arith.constant 0 : index
    %get3A_125 = arith.constant 0 : index
    %get3A_126 = vector.load %arg13[%get3A_124, %get3A_125] : memref<1x256xf32, #tpu.memory_space<vmem>>, vector<1x256xf32>
    %add3A_127 = vector.broadcast %get3A_126 : vector<1x256xf32> to vector<1024x256xf32>
    %add3A_128 = arith.addf %dot_general3A_123, %add3A_127 : vector<1024x256xf32>
    %swap3A = arith.constant 0 : index
    %swap3A_129 = arith.constant 0 : index
    %swap3A_130 = vector.load %arg14[%swap3A, %swap3A_129] : memref<1024x256xf32, #tpu.memory_space<vmem>>, vector<1024x256xf32>
    tpu.vector_store %arg14[%swap3A, %swap3A_129], %add3A_128 {strides = array<i32>} : memref<1024x256xf32, #tpu.memory_space<vmem>>, vector<1024x256xf32>,
    %broadcast_in_dim3A_131 = vector.shape_cast %broadcast_in_dim3A_59 : vector<1024x1xi32> to vector<1024x1xi32>
    %broadcast_in_dim3A_132 = vector.broadcast %broadcast_in_dim3A_131 : vector<1024x1xi32> to vector<1024x128xi32>
    %swap3A_133 = arith.constant 0 : index
    %swap3A_134 = arith.constant 0 : index
    %swap3A_135 = vector.load %arg15[%swap3A_133, %swap3A_134] : memref<1024x128xi32, #tpu.memory_space<vmem>>, vector<1024x128xi32>
    tpu.vector_store %arg15[%swap3A_133, %swap3A_134], %broadcast_in_dim3A_132 {strides = array<i32>} : memref<1024x128xi32, #tpu.memory_space<vmem>>, vector<1024x128xi32>,
    return
  }
  func.func @transform_0(%arg0: i32) -> (i32, i32) {
    %c0_i32 = arith.constant 0 : i32
    %c0_i32_0 = arith.constant 0 : i32
    return %arg0, %c0_i32 : i32, i32
  }
  func.func @transform_1(%arg0: i32) -> (i32, i32) {
    %c0_i32 = arith.constant 0 : i32
    %c0_i32_0 = arith.constant 0 : i32
    return %arg0, %c0_i32 : i32, i32
  }
  func.func @transform_2(%arg0: i32) -> (i32, i32) {
    %c0_i32 = arith.constant 0 : i32
    %c0_i32_0 = arith.constant 0 : i32
    return %arg0, %c0_i32 : i32, i32
  }
  func.func @transform_3(%arg0: i32) -> (i32, i32) {
    %c0_i32 = arith.constant 0 : i32
    %c0_i32_0 = arith.constant 0 : i32
    %c0_i32_1 = arith.constant 0 : i32
    return %c0_i32, %c0_i32_0 : i32, i32
  }
  func.func @transform_4(%arg0: i32) -> (i32, i32) {
    %c0_i32 = arith.constant 0 : i32
    %c0_i32_0 = arith.constant 0 : i32
    %c0_i32_1 = arith.constant 0 : i32
    return %c0_i32, %c0_i32_0 : i32, i32
  }
  func.func @transform_5(%arg0: i32) -> (i32, i32) {
    %c0_i32 = arith.constant 0 : i32
    %c0_i32_0 = arith.constant 0 : i32
    %c0_i32_1 = arith.constant 0 : i32
    return %c0_i32, %c0_i32_0 : i32, i32
  }
  func.func @transform_6(%arg0: i32) -> (i32, i32) {
    %c0_i32 = arith.constant 0 : i32
    %c0_i32_0 = arith.constant 0 : i32
    %c0_i32_1 = arith.constant 0 : i32
    return %c0_i32, %c0_i32_0 : i32, i32
  }
  func.func @transform_7(%arg0: i32) -> (i32, i32) {
    %c0_i32 = arith.constant 0 : i32
    %c0_i32_0 = arith.constant 0 : i32
    %c0_i32_1 = arith.constant 0 : i32
    return %c0_i32, %c0_i32_0 : i32, i32
  }
  func.func @transform_8(%arg0: i32) -> (i32, i32) {
    %c0_i32 = arith.constant 0 : i32
    %c0_i32_0 = arith.constant 0 : i32
    %c0_i32_1 = arith.constant 0 : i32
    return %c0_i32, %c0_i32_0 : i32, i32
  }
  func.func @transform_9(%arg0: i32) -> (i32, i32) {
    %c0_i32 = arith.constant 0 : i32
    %c0_i32_0 = arith.constant 0 : i32
    %c0_i32_1 = arith.constant 0 : i32
    return %c0_i32, %c0_i32_0 : i32, i32
  }
  func.func @transform_10(%arg0: i32) -> (i32, i32) {
    %c0_i32 = arith.constant 0 : i32
    %c0_i32_0 = arith.constant 0 : i32
    %c0_i32_1 = arith.constant 0 : i32
    return %c0_i32, %c0_i32_0 : i32, i32
  }
  func.func @transform_11(%arg0: i32) -> (i32, i32) {
    %c0_i32 = arith.constant 0 : i32
    %c0_i32_0 = arith.constant 0 : i32
    %c0_i32_1 = arith.constant 0 : i32
    return %c0_i32, %c0_i32_0 : i32, i32
  }
  func.func @transform_12(%arg0: i32) -> (i32, i32) {
    %c0_i32 = arith.constant 0 : i32
    %c0_i32_0 = arith.constant 0 : i32
    %c0_i32_1 = arith.constant 0 : i32
    return %c0_i32, %c0_i32_0 : i32, i32
  }
  func.func @transform_13(%arg0: i32) -> (i32, i32) {
    %c0_i32 = arith.constant 0 : i32
    %c0_i32_0 = arith.constant 0 : i32
    return %arg0, %c0_i32 : i32, i32
  }
  func.func @transform_14(%arg0: i32) -> (i32, i32) {
    %c0_i32 = arith.constant 0 : i32
    %c0_i32_0 = arith.constant 0 : i32
    return %arg0, %c0_i32 : i32, i32
  }
}

</mosaic_0001>

<sc_bundles>
// kernel: kernel.7.cloned.1.call-start
scs
__scs_entry_jumppad:
0x0: {  	(pc) =	sbr.rel $0x88, $3  }
0x1: {  	(tag) =	ssettag $0x0;
	lr =	simm.s32 $0x1  }
0x2: {  	[smem:$0x3F8A] =	sst lr;
	_ =	strace $0xD0000000  }
0x3: {  	_ = 	snop  }
0x4: {  	_ = 	snop  }
0x5: {  	_ = 	snop  }
0x6: {  	_ = 	snop  }
0x7: {  	_ = 	snop  }
__scs_overlays_trampoline_lowered:
0x8: {  	[smem:$0x3F99] =	sst s0  }
0x9: {  	[smem:$0x3F9A] =	sst s1  }
0xa: {  	[smem:$0x3F9B] =	sst s2  }
0xb: {  	[smem:$0x3F9C] =	sst s3  }
0xc: {  	[smem:$0x3F9D] =	sst s4  }
0xd: {  	[smem:$0x3F9E] =	sst s5  }
0xe: {  	[smem:$0x3F9F] =	sst s6  }
0xf: {  	[smem:$0x3FA0] =	sst s7  }
0x10: {  	[smem:$0x3FA1] =	sst s8  }
0x11: {  	[smem:$0x3FA2] =	sst s9;
	s0 =	simm.s32 @!p0 $0x0  }
0x12: {  	s1 =	sld [smem:$0x3F88];
	s0 =	simm.s32 @p0 $0x1  }
0x13: {  	[smem:$0x3FA3] =	sst s0;
	s0 =	simm.s32 @!p1 $0x0  }
0x14: {  	s2 =	sld [smem:$0x3F87];
	s0 =	simm.s32 @p1 $0x1  }
0x15: {  	[smem:$0x3FA4] =	sst s0;
	s0 =	simm.s32 @!p2 $0x0  }
0x16: {  	s3 =	sld [smem:$0x3FDB];
	s0 =	simm.s32 @p2 $0x1  }
0x17: {  	s4 =	simm.s32 $0x1BF5;
	[smem:$0x3FA6] =	sst s0  }
0x18: {  	s0 =	sld [smem:$0x3F89];
	_ =	swait.ge [sflag:s4], $0x0  }
0x19: {  	s7 =	sld [smem:$0x3F8A]  }
0x1a: {  	s8 =	sadd.s32 $0xFFFFE003, lr  }
0x1b: {  	s9 =	sadd.s32 $0xFFFFFEF7, lr;
	s5 =	simm.s32 $0xFFFFFFFF;
	p2 =	slt.u32 s8, $0xFFFFF086  }
0x1c: {  	p1 =	slt.u32 s9, $0xF7A;
	s5 =	simm.s32 @!p2 $0x0  }
0x1d: {  	s5 =	simm.s32 @p1 $0x1;
	p0 =	seq.s32 s7, s2  }
0x1e: {  	s7 =	smul.u32 @!p0 $0xF7A, s2;
	p2 =	seq.s32 @!p0 s5, $0x0  }
0x1f: {  	s9 =	smul.u32 $0xF7A, s1;
	s8 =	simm.s32 @!p0 $0x1BF5;
	p2 =	por !p2, p0  }
0x20: {  	[sflag:s8] =	ssyncset.s32 @!p0 $0xFFFFF086;
	s6 =	sadd.s32 @!p0 s3, s7;
	s7 =	simm.s32 @!p0 $0x108  }
0x21: {  	s3 =	sadd.s32 s3, s9;
	s6 =	sadd.s32 @!p0 $0x88, s6;
	s7 =	simm.s32 @p2 $0x1082  }
0x22: {  	[simem:s7], [sflag:s8] =	dma.local @!p0 [hbm:s6], $0xF7A  }
0x23: {  	s9 =	sor.u32 $0xD0000000, s2;
	s6 =	simm.s32 $0x108;
	_ =	swait.ge @!p0 [sflag:s8], $0x0  }
0x24: {  	s3 =	sadd.s32 $0x88, s3;
	s6 =	simm.s32 @!p1 $0x1082;
	[sflag:s4] =	ssyncset.s32 $0xFFFFF086  }
0x25: {  	[simem:s6], [sflag:s4] =	dma.local [hbm:s3], $0xF7A  }
0x26: {  	[smem:$0x3F8A] =	sst s1;
	(tag) =	ssettag s2;
	_ =	strace s9  }
0x27: {  	s1 =	sld [smem:$0x3F9A]  }
0x28: {  	s2 =	sld [smem:$0x3F9B]  }
0x29: {  	s4 =	sld [smem:$0x3F9D]  }
0x2a: {  	p0 =	seq.s32 s5, $0x0;
	s5 =	sld [smem:$0x3F9E]  }
0x2b: {  	s6 =	sld [smem:$0x3F9F]  }
0x2c: {  	s7 =	sld [smem:$0x3FA0]  }
0x2d: {  	s3 =	simm.s32 $0x108;
	s8 =	sld [smem:$0x3FA1]  }
0x2e: {  	s3 =	simm.s32 @!p0 $0x1082;
	s9 =	sld [smem:$0x3FA2]  }
0x2f: {  	lr =	sadd.s32 s0, s3;
	s0 =	sld [smem:$0x3F99]  }
0x30: {  	s3 =	sld [smem:$0x3F9C]  }
0x31: {  	[smem:$0x3FA5] =	sst s10  }
0x32: {  	s10 =	sld [smem:$0x3FA3];
	_ =	sdelay $0x3  }
0x33: {  	p0 =	seq.s32 s10, $0x1;
	s10 =	sld [smem:$0x3FA5];
	_ =	sdelay $0x3  }
0x34: {  	[smem:$0x3FA5] =	sst s10  }
0x35: {  	s10 =	sld [smem:$0x3FA4];
	_ =	sdelay $0x3  }
0x36: {  	p1 =	seq.s32 s10, $0x1;
	s10 =	sld [smem:$0x3FA5];
	_ =	sdelay $0x3  }
0x37: {  	[smem:$0x3FA5] =	sst s10  }
0x38: {  	s10 =	sld [smem:$0x3FA6]  }
0x39: {  	_ = 	snop;
	(pc) =	sbr.ind lr, $3  }
0x3a: {  	_ = 	snop  }
0x3b: {  	_ = 	snop  }
0x3c: {  	p2 =	seq.s32 s10, $0x1;
	s10 =	sld [smem:$0x3FA5]  }
0x3d: {  	_ =	shalt  }
0x3e: {  	_ =	shalt  }
0x3f: {  	_ =	shalt  }
0x40: {  	_ =	shalt  }
0x41: {  	_ =	shalt  }
0x42: {  	_ =	shalt  }
0x43: {  	_ =	shalt  }
0x44: {  	_ =	shalt  }
0x45: {  	_ =	shalt  }
0x46: {  	_ =	shalt  }
0x47: {  	_ =	shalt  }
0x48: {  	_ =	shalt  }
0x49: {  	_ =	shalt  }
0x4a: {  	_ =	shalt  }
0x4b: {  	_ =	shalt  }
0x4c: {  	_ =	shalt  }
0x4d: {  	_ =	shalt  }
0x4e: {  	_ =	shalt  }
0x4f: {  	_ =	shalt  }
0x50: {  	_ =	shalt  }
0x51: {  	_ =	shalt  }
0x52: {  	_ =	shalt  }
0x53: {  	_ =	shalt  }
0x54: {  	_ =	shalt  }
0x55: {  	_ =	shalt  }
0x56: {  	_ =	shalt  }
0x57: {  	_ =	shalt  }
0x58: {  	_ =	shalt  }
0x59: {  	_ =	shalt  }
0x5a: {  	_ =	shalt  }
0x5b: {  	_ =	shalt  }
0x5c: {  	_ =	shalt  }
0x5d: {  	_ =	shalt  }
0x5e: {  	_ =	shalt  }
0x5f: {  	_ =	shalt  }
0x60: {  	_ =	shalt  }
0x61: {  	_ =	shalt  }
0x62: {  	_ =	shalt  }
0x63: {  	_ =	shalt  }
0x64: {  	_ =	shalt  }
0x65: {  	_ =	shalt  }
0x66: {  	_ =	shalt  }
0x67: {  	_ =	shalt  }
0x68: {  	_ =	shalt  }
0x69: {  	_ =	shalt  }
0x6a: {  	_ =	shalt  }
0x6b: {  	_ =	shalt  }
0x6c: {  	_ =	shalt  }
0x6d: {  	_ =	shalt  }
0x6e: {  	_ =	shalt  }
0x6f: {  	_ =	shalt  }
0x70: {  	_ =	shalt  }
0x71: {  	_ =	shalt  }
0x72: {  	_ =	shalt  }
0x73: {  	_ =	shalt  }
0x74: {  	_ =	shalt  }
0x75: {  	_ =	shalt  }
0x76: {  	_ =	shalt  }
0x77: {  	_ =	shalt  }
0x78: {  	_ =	shalt  }
0x79: {  	_ =	shalt  }
0x7a: {  	_ =	shalt  }
0x7b: {  	_ =	shalt  }
0x7c: {  	_ =	shalt  }
0x7d: {  	_ =	shalt  }
0x7e: {  	_ =	shalt  }
0x7f: {  	_ =	shalt  }
0x80: {  	_ =	shalt  }
0x81: {  	_ =	shalt  }
0x82: {  	_ =	shalt  }
0x83: {  	_ =	shalt  }
0x84: {  	_ =	shalt  }
0x85: {  	_ =	shalt  }
0x86: {  	_ =	shalt  }
0x87: {  	_ =	shalt  }
.Lfunc_end0:
.L_simem_size_0:
called_computation_lowered:
.L_overlay_start_0:
0x88: {  	s2 =	sld [smem:$0x3FD9]  }
0x89: {  	s3 =	sld [smem:$0x3FFE];
	_ =	sdelay $0x1  }
0x8a: {  	s1 =	srdreg.scid  }
0x8b: {  	s0 =	sand.u32 $0x1, s1  }
0x8c: {  	s14 =	sshll.u32 s0, $0xA;
	s2 =	sadd.s32 s3, s2  }
0x8d: {  	s2 =	sadd.s32 s2, s14  }
0x8e: {  	[smem:$0x3FB1] =	sst s2  }
0x8f: {  	_ = 	snop  }
0x90: {  	s2 =	sld [smem:$0x3FD0];
	_ =	sdelay $0x2  }
0x91: {  	s15 =	simm.s32 $0xA;
	s4 =	simm.s32 $0x10  }
0x92: {  	[smem:s4], [sflag:s15] =	dma.local [hbm:s2], $0x1  }
0x93: {  	_ =	swait.eq [sflag:s15], $0x1  }
0x94: {  	[sflag:s15] =	ssyncset.done $0x0  }
0x95: {  	s16 =	sld [smem:$0x10];
	[sflag:s15] =	ssyncadd.s32 $0xFFFFFFFF  }
0x96: {  	s17 =	sld [smem:$0x12];
	(tm) =	ssettm $0x1  }
0x97: {  	s18 =	sld [smem:$0x3FFB];
	_ =	sdelay $0x3  }
0x98: {  	_ =	strace s18  }
0x99: {  	s4 =	sld [smem:$0x3FFC];
	_ =	sdelay $0x3  }
0x9a: {  	_ =	strace s4  }
0x9b: {  	s4 =	sld [smem:$0x3FFD];
	_ =	sdelay $0x3  }
0x9c: {  	_ =	strace s4  }
0x9d: {  	_ =	strace $0x8FFFFFFF  }
0x9e: {  	s19 =	sld [smem:$0x3FDB];
	_ =	sdelay $0x1  }
0x9f: {  	s5 =	simm.s32 $_scs_section_size  }
0xa0: {  	s6 =	simm.s32 $_size__tile_overlayer_lowered;
	s7 =	simm.s32 $_tile_overlayer_lowered  }
0xa1: {  	s22 =	simm.s32 $0x1BFF;
	s21 =	sshll.u32 s7, $0x1;
	s4 =	sadd.s32 s5, s19  }
0xa2: {  	s8 =	simm.s32 $0x0;
	s20 =	sshll.u32 s6, $0x1;
	s6 =	sadd.s32 s21, s4  }
0xa3: {  	[timem:s8], [sflag:s22] =	dma.local [hbm:s6], s20  }
0xa4: {  	_ =	swait.ge [sflag:s22], s20  }
0xa5: {  	s5 =	ssub.s32 $0x0, s20;
	[sflag:s22] =	ssyncset.done $0x0  }
0xa6: {  	[sflag:s22] =	ssyncadd.s32 s5;
	_ =	sdelay $0x1  }
0xa7: {  	s23 =	simm.s32 $0x1B8B  }
0xa8: {  	_ =	swait.ge [sflag:s23], $0x1  }
0xa9: {  	[sflag:s23] =	ssyncset.done $0x0  }
0xaa: {  	s25 =	simm.s32 $0x1B8E;
	s24 =	sld [smem:$0x3FFE];
	[sflag:s23] =	ssyncadd.s32 $0xFFFFFFFF  }
0xab: {  	s26 =	simm.s32 $execute0_lowered;
	[smem:$0x3FD2] =	sst s25  }
0xac: {  	s6 =	sshll.u32 s26, $0x1;
	_ =	strace $0x80000046;
	[dreg:$0x1] =	wrdreg $0xFFFFFFFF  }
0xad: {  	s28 =	simm.s32 $_size_execute0_lowered;
	s4 =	sadd.s32 s4, s6;
	[dreg:$0x0] =	wrdreg $0x0  }
0xae: {  	s6 =	sshll.u32 s28, $0x1;
	[dreg:$0x2] =	wrdreg s4  }
0xaf: {  	[dreg:$0x3] =	wrdreg s6  }
0xb0: {  	[dreg:$0x4] =	wrdreg $0xC0  }
0xb1: {  	_ =	task [dreg:s8], $0x5FFFF  }
0xb2: {  	[dreg:$0x1] =	wrdreg $0xFFFFFFFF  }
0xb3: {  	[dreg:$0x0] =	wrdreg $0x60  }
0xb4: {  	[dreg:$0x2] =	wrdreg s24  }
0xb5: {  	[dreg:$0x3] =	wrdreg s17  }
0xb6: {  	[dreg:$0x4] =	wrdreg s16  }
0xb7: {  	[dreg:$0x5] =	wrdreg $0x90000  }
0xb8: {  	[dreg:$0x6] =	wrdreg $0x9  }
0xb9: {  	_ =	task.clear_ibuf [dreg:s8], $0x7FFFF;
	_ =	strace $0x90000046  }
0xba: {  	s29 =	simm.s32 $0x9;
	_ =	strace $0x80000048  }
0xbb: {  	_ =	swait.ge [sflag:s29], $0x1  }
0xbc: {  	[sflag:s29] =	ssyncadd.s32 $0xFFFFFFFF  }
0xbd: {  	_ =	strace $0x90000048  }
0xbe: {  	_ =	sfence  }
0xbf: {  	s30 =	sld [smem:$0x0];
	_ =	sdelay $0x2  }
0xc0: {  	s31 =	sshll.u32 s1, $0xD;
	s1 =	sshrl.u32 s1, $0x2  }
0xc1: {  	s3 =	sand.u32 $0x4000, s31;
	s1 =	sadd.s32 s1, s30  }
0xc2: {  	s0 =	sor.u32 s3, s0;
	s1 =	sshll.u32 s1, $0x11  }
0xc3: {  	s0 =	sor.u32 s1, s0  }
0xc4: {  	s0 =	sadd.s32 $0x8F2B, s0  }
0xc5: {  	[sflag:s0] =	ssyncadd.remote.s32 $0x1  }
0xc6: {  	_ =	sfence.sel $0xFFFF  }
0xc7: {  	[dreg:$0x0] =	wrdreg $0xFFFFFFFF;
	(pc) =	sbr.abs _section_cstart, $3  }
0xc8: {  	[dreg:$0x1] =	wrdreg $0xFFFFFFFF  }
0xc9: {  	_ =	task.clear_ibuf [dreg:s8], $0x2FFFF;
	_ =	strace $0x9FFFFFFF  }
0xca: {  	(tm) =	ssettm $0x7FFFFFFF  }
0xcb: {  	_ =	shalt  }
tec
execute0_lowered:
.L_overlay_start_1:
0x0: {  	(tag) =	ssettag $0x1  }
0x1: {  	s0 =	rddreg [dreg:$0x0]  }
0x2: {  	s1 =	rddreg [dreg:$0x2]  }
0x3: {  	s3 =	rddreg [dreg:$0x3];
	s4 =	simm.s32 $0x0;
	s12 =	stileid.u32  }
0x4: {  	s6 =	srdreg.scid;
	s28 =	simm.s32 $0x3;
	s29 =	simm.s32 $0x800  }
0x5: {  	s30 =	simm.s32 $0x80;
	s31 =	simm.s32 $0x5000;
	[smem:$0x7FF] =	sst s4  }
0x6: {  	s2 =	smul.u32 $0x500, s12;
	s5 =	sadd.s32 $0xD800, s0;
	s7 =	sand.u32 $0x1, s6  }
0x7: {  	s6 =	sadd.s32 $0x36A00, s0;
	s10 =	sshll.u32 s12, $0xE;
	s25 =	sor.u32 $0x50, s12  }
0x8: {  	s26 =	sor.u32 $0x10, s12;
	s11 =	sshll.u32 s12, $0xB;
	s15 =	sor.u32 $0x20, s12  }
0x9: {  	_ =	strace $0x80000047;
	s8 =	ssub.s32 $0x2, s7;
	p0 =	seq.s32 s7, $0x0  }
0xa: {  	s14 =	sadd.s32 s10, s3;
	s13 =	sshll.u32 s26, $0xB;
	s16 =	sshll.u32 s15, $0xB  }
0xb: {  	s19 =	sshll.u32 s25, $0xB;
	s20 =	sshll.u32 s25, $0xE;
	p1 =	sgt.u32 s25, $0x52  }
0xc: {  	p2 =	sne.s32 s7, $0x0;
	s7 =	simm.s32 $0x900;
	s2 =	sadd.s32 s2, s0  }
0xd: {  	s0 =	sadd.s32 $0x5FC00, s0;
	s9 =	sshrl.u32 s8, $0x1;
	s22 =	sadd.s32 $0x40000, s14  }
0xe: {  	s23 =	sadd.s32 $0x80000, s14;
	s24 =	sadd.s32 $0xC0000, s14;
	[dreg:$0x7] =	wrdreg s22  }
0xf: {  	s21 =	sadd.s32 $0x100000, s14;
	s20 =	sadd.s32 s20, s3;
	[dreg:$0x8] =	wrdreg s23  }
0x10: {  	s8 =	ssub.s32 s8, s9;
	[dreg:$0x9] =	wrdreg s24;
	s0 =	smov.u32 @p0 s1  }
0x11: {  	[dreg:$0x10] =	wrdreg s21;
	s22 =	sshll.u32 s26, $0xE;
	s23 =	sshll.u32 s15, $0xE  }
0x12: {  	s21 =	simm.s32 $0x100;
	[dreg:$0x11] =	wrdreg s20;
	s8 =	smax.u32 s8, $0x1  }
0x13: {  	s9 =	simm.s32 $0x280;
	s10 =	sadd.s32 s0, s11;
	[dreg:$0x6] =	wrdreg s8  }
0x14: {  	s15 =	simm.s32 $0x400;
	s1 =	sadd.s32 s0, s13;
	[dreg:$0xa] =	wrdreg s10  }
0x15: {  	s11 =	sor.u32 $0x30, s12;
	s12 =	sor.u32 $0x40, s12;
	[dreg:$0xb] =	wrdreg s1  }
0x16: {  	s10 =	sadd.s32 s0, s16;
	s17 =	sshll.u32 s11, $0xB;
	s13 =	sshll.u32 s12, $0xB  }
0x17: {  	s16 =	smov.u32 s14;
	s24 =	sshll.u32 s11, $0xE;
	s26 =	sshll.u32 s12, $0xE  }
0x18: {  	s1 =	simm.s32 $0x2;
	s8 =	simm.s32 $0x980;
	s11 =	simm.s32 $0x300  }
0x19: {  	s12 =	simm.s32 $0xA80;
	s14 =	simm.s32 $0xB00;
	[dreg:$0xc] =	wrdreg s10  }
0x1a: {  	s10 =	sadd.s32 s0, s17;
	s18 =	sadd.s32 s0, s13;
	[dreg:$0x5] =	wrdreg s16  }
0x1b: {  	s0 =	sadd.s32 s0, s19;
	s25 =	sadd.s32 s24, s3;
	[dreg:$0xd] =	wrdreg s10  }
0x1c: {  	s24 =	sadd.s32 $0x3800, s2;
	s19 =	simm.s32 $0x180;
	[dreg:$0xe] =	wrdreg s18  }
0x1d: {  	s13 =	simm.s32 $0x380;
	s17 =	simm.s32 $0x0;
	[dreg:$0xf] =	wrdreg s0  }
.Ltmp0:
0x1e: {  	s0 =	sadd.s32 s22, s3;
	[dreg:$0x14] =	wrdreg s25;
	(pc) =	sbr.rel .LBB2_1-.Ltmp0, $4  }
0x1f: {  	s25 =	sadd.s32 $0x8800, s2;
	s22 =	simm.s32 $0x880;
	s2 =	simm.s32 $0x200  }
0x20: {  	s10 =	simm.s32 $0xA00;
	[dreg:$0x12] =	wrdreg s0;
	s0 =	sadd.s32 s23, s3  }
0x21: {  	s23 =	simm.s32 $0xB80;
	[dreg:$0x13] =	wrdreg s0;
	s0 =	sadd.s32 s26, s3  }
0x22: {  	s26 =	simm.s32 $0x1000;
	[dreg:$0x15] =	wrdreg s0;
	s0 =	simm.s32 $0x1  }
.LBB2_7:
0x23: {  	s20 =	sadd.s32 s18, s25;
	[sflag:s28] =	ssyncadd.s32 $0xFFFFC000  }
0x24: {  	[tilespmem:s4], [sflag:$0x3] =	stream.linear.gather [hbm4b:s20+s4], $0x800, $0x38;
	[tilespmem:$0x1DC00] =	vst v63  }
0x25: {  	_ =	swait.ge [sflag:s28], $0x800  }
0x26: {  	[sflag:s28] =	ssyncset.done $0x0  }
0x27: {  	s21 =	sadd.s32 s18, s24;
	[sflag:s28] =	ssyncadd.s32 $0xFFFFF800  }
0x28: {  	[tilespmem:s29], [sflag:$0x3] =	stream.linear.gather [hbm4b:s21+s4], $0x800, $0x38;
	[tilespmem:$0x1DC00] =	vst v63  }
0x29: {  	_ =	swait.ge [sflag:s28], $0x800  }
0x2a: {  	[sflag:s28] =	ssyncset.done $0x0  }
0x2b: {  	[sflag:s28] =	ssyncadd.s32 $0xFFFFF800  }
0x2c: {  	[tilespmem:s26], [sflag:$0x1] =	stream.indirect.gather [hbm4b:s6+s30], $0x80, s4, s30, $0xb8;
	[tilespmem:$0x1DC00] =	vst v63  }
0x2d: {  	_ = 	snop  }
0x2e: {  	[tilespmem:s31], [sflag:$0x2] =	stream.indirect.gather [hbm4b:s6+s30], $0x80, s30, s30, $0xb8;
	[tilespmem:$0x1DC00] =	vst v63  }
0x2f: {  	_ =	swait.ge [sflag:s0], $0x4000  }
0x30: {  	[sflag:s0] =	ssyncset.done $0x0  }
0x31: {  	[sflag:s0] =	ssyncadd.s32 $0xFFFFC000  }
0x32: {  	[spmem:s3] =	stream.indirect.scatter.add.f32 [tilespmem:s26], [sflag:$0x3], $0x80, s29, s30, $0xb8;
	[tilespmem:$0x1DC00] =	vst v63  }
0x33: {  	_ =	swait.ge [sflag:s28], $0x4000  }
0x34: {  	[sflag:s28] =	ssyncset.done $0x0  }
0x35: {  	[sflag:s28] =	ssyncadd.s32 $0xFFFFC000  }
0x36: {  	[tilespmem:s26], [sflag:$0x1] =	stream.indirect.gather [hbm4b:s6+s30], $0x80, s22, s30, $0xb8;
	[tilespmem:$0x1DC00] =	vst v63  }
0x37: {  	_ =	swait.ge [sflag:s1], $0x4000  }
0x38: {  	[sflag:s1] =	ssyncset.done $0x0  }
0x39: {  	[sflag:s1] =	ssyncadd.s32 $0xFFFFC000  }
0x3a: {  	[spmem:s3] =	stream.indirect.scatter.add.f32 [tilespmem:s31], [sflag:$0x3], $0x80, s23, s30, $0xb8;
	[tilespmem:$0x1DC00] =	vst v63  }
0x3b: {  	_ =	swait.ge [sflag:s28], $0x4000  }
0x3c: {  	[sflag:s28] =	ssyncset.done $0x0  }
0x3d: {  	[sflag:s28] =	ssyncadd.s32 $0xFFFFC000  }
0x3e: {  	[tilespmem:s31], [sflag:$0x2] =	stream.indirect.gather [hbm4b:s6+s30], $0x80, s19, s30, $0xb8;
	[tilespmem:$0x1DC00] =	vst v63  }
0x3f: {  	_ =	swait.ge [sflag:s0], $0x4000  }
0x40: {  	[sflag:s0] =	ssyncset.done $0x0  }
0x41: {  	[sflag:s0] =	ssyncadd.s32 $0xFFFFC000  }
0x42: {  	[spmem:s3] =	stream.indirect.scatter.add.f32 [tilespmem:s26], [sflag:$0x3], $0x80, s7, s30, $0xb8;
	[tilespmem:$0x1DC00] =	vst v63  }
0x43: {  	_ =	swait.ge [sflag:s28], $0x4000  }
0x44: {  	[sflag:s28] =	ssyncset.done $0x0  }
0x45: {  	[sflag:s28] =	ssyncadd.s32 $0xFFFFC000  }
0x46: {  	[tilespmem:s26], [sflag:$0x1] =	stream.indirect.gather [hbm4b:s6+s30], $0x80, s2, s30, $0xb8;
	[tilespmem:$0x1DC00] =	vst v63  }
0x47: {  	_ =	swait.ge [sflag:s1], $0x4000  }
0x48: {  	[sflag:s1] =	ssyncset.done $0x0  }
0x49: {  	[sflag:s1] =	ssyncadd.s32 $0xFFFFC000  }
0x4a: {  	[spmem:s3] =	stream.indirect.scatter.add.f32 [tilespmem:s31], [sflag:$0x3], $0x80, s8, s30, $0xb8;
	[tilespmem:$0x1DC00] =	vst v63  }
0x4b: {  	_ =	swait.ge [sflag:s28], $0x4000  }
0x4c: {  	[sflag:s28] =	ssyncset.done $0x0  }
0x4d: {  	[sflag:s28] =	ssyncadd.s32 $0xFFFFC000  }
0x4e: {  	[tilespmem:s31], [sflag:$0x2] =	stream.indirect.gather [hbm4b:s6+s30], $0x80, s9, s30, $0xb8;
	[tilespmem:$0x1DC00] =	vst v63  }
0x4f: {  	_ =	swait.ge [sflag:s0], $0x4000  }
0x50: {  	[sflag:s0] =	ssyncset.done $0x0  }
0x51: {  	[sflag:s0] =	ssyncadd.s32 $0xFFFFC000  }
0x52: {  	[spmem:s3] =	stream.indirect.scatter.add.f32 [tilespmem:s26], [sflag:$0x3], $0x80, s10, s30, $0xb8;
	[tilespmem:$0x1DC00] =	vst v63  }
0x53: {  	_ =	swait.ge [sflag:s28], $0x4000  }
0x54: {  	[sflag:s28] =	ssyncset.done $0x0  }
0x55: {  	[sflag:s28] =	ssyncadd.s32 $0xFFFFC000  }
0x56: {  	[tilespmem:s26], [sflag:$0x1] =	stream.indirect.gather [hbm4b:s6+s30], $0x80, s11, s30, $0xb8;
	[tilespmem:$0x1DC00] =	vst v63  }
0x57: {  	_ =	swait.ge [sflag:s1], $0x4000  }
0x58: {  	[sflag:s1] =	ssyncset.done $0x0  }
0x59: {  	[sflag:s1] =	ssyncadd.s32 $0xFFFFC000  }
0x5a: {  	[spmem:s3] =	stream.indirect.scatter.add.f32 [tilespmem:s31], [sflag:$0x3], $0x80, s12, s30, $0xb8;
	[tilespmem:$0x1DC00] =	vst v63  }
0x5b: {  	_ =	swait.ge [sflag:s28], $0x4000  }
0x5c: {  	[sflag:s28] =	ssyncset.done $0x0  }
0x5d: {  	[sflag:s28] =	ssyncadd.s32 $0xFFFFC000  }
0x5e: {  	[tilespmem:s31], [sflag:$0x2] =	stream.indirect.gather [hbm4b:s6+s30], $0x80, s13, s30, $0xb8;
	[tilespmem:$0x1DC00] =	vst v63  }
0x5f: {  	_ =	swait.ge [sflag:s0], $0x4000  }
0x60: {  	[sflag:s0] =	ssyncset.done $0x0  }
0x61: {  	[sflag:s0] =	ssyncadd.s32 $0xFFFFC000  }
0x62: {  	[spmem:s3] =	stream.indirect.scatter.add.f32 [tilespmem:s26], [sflag:$0x3], $0x80, s14, s30, $0xb8;
	[tilespmem:$0x1DC00] =	vst v63  }
0x63: {  	_ =	swait.ge [sflag:s28], $0x4000  }
0x64: {  	[sflag:s28] =	ssyncset.done $0x0  }
0x65: {  	[sflag:s28] =	ssyncadd.s32 $0xFFFFC000  }
0x66: {  	[tilespmem:s26], [sflag:$0x1] =	stream.indirect.gather [hbm4b:s6+s30], $0x80, s15, s30, $0xb8;
	[tilespmem:$0x1DC00] =	vst v63  }
0x67: {  	_ =	swait.ge [sflag:s1], $0x4000  }
0x68: {  	[sflag:s1] =	ssyncset.done $0x0  }
0x69: {  	[sflag:s1] =	ssyncadd.s32 $0xFFFFC000  }
0x6a: {  	[spmem:s3] =	stream.indirect.scatter.add.f32 [tilespmem:s31], [sflag:$0x3], $0x80, s16, s30, $0xb8;
	[tilespmem:$0x1DC00] =	vst v63  }
0x6b: {  	_ =	swait.ge [sflag:s28], $0x4000  }
0x6c: {  	[sflag:s28] =	ssyncset.done $0x0  }
0x6d: {  	[sflag:s28] =	ssyncadd.s32 $0xFFFFC000  }
0x6e: {  	[tilespmem:s31], [sflag:$0x2] =	stream.indirect.gather [hbm4b:s6+s30], $0x80, s17, s30, $0xb8;
	[tilespmem:$0x1DC00] =	vst v63  }
0x6f: {  	_ =	swait.ge [sflag:s0], $0x4000  }
0x70: {  	[sflag:s0] =	ssyncset.done $0x0  }
0x71: {  	s10 =	simm.s32 $0xC00;
	[sflag:s0] =	ssyncadd.s32 $0xFFFFC000  }
0x72: {  	[spmem:s3] =	stream.indirect.scatter.add.f32 [tilespmem:s26], [sflag:$0x3], $0x80, s10, s30, $0xb8;
	[tilespmem:$0x1DC00] =	vst v63  }
0x73: {  	_ =	swait.ge [sflag:s28], $0x4000  }
0x74: {  	[sflag:s28] =	ssyncset.done $0x0  }
0x75: {  	s11 =	simm.s32 $0x500;
	[sflag:s28] =	ssyncadd.s32 $0xFFFFC000  }
0x76: {  	[tilespmem:s26], [sflag:$0x1] =	stream.indirect.gather [hbm4b:s6+s30], $0x80, s11, s30, $0xb8;
	[tilespmem:$0x1DC00] =	vst v63  }
0x77: {  	_ =	swait.ge [sflag:s1], $0x4000  }
0x78: {  	[sflag:s1] =	ssyncset.done $0x0  }
0x79: {  	s12 =	simm.s32 $0xC80;
	[sflag:s1] =	ssyncadd.s32 $0xFFFFC000  }
0x7a: {  	[spmem:s3] =	stream.indirect.scatter.add.f32 [tilespmem:s31], [sflag:$0x3], $0x80, s12, s30, $0xb8;
	[tilespmem:$0x1DC00] =	vst v63  }
0x7b: {  	_ =	swait.ge [sflag:s28], $0x4000  }
0x7c: {  	[sflag:s28] =	ssyncset.done $0x0  }
0x7d: {  	s13 =	simm.s32 $0x580;
	[sflag:s28] =	ssyncadd.s32 $0xFFFFC000  }
0x7e: {  	[tilespmem:s31], [sflag:$0x2] =	stream.indirect.gather [hbm4b:s6+s30], $0x80, s13, s30, $0xb8;
	[tilespmem:$0x1DC00] =	vst v63  }
0x7f: {  	_ =	swait.ge [sflag:s0], $0x4000  }
0x80: {  	[sflag:s0] =	ssyncset.done $0x0  }
0x81: {  	s14 =	simm.s32 $0xD00;
	[sflag:s0] =	ssyncadd.s32 $0xFFFFC000  }
0x82: {  	[spmem:s3] =	stream.indirect.scatter.add.f32 [tilespmem:s26], [sflag:$0x3], $0x80, s14, s30, $0xb8;
	[tilespmem:$0x1DC00] =	vst v63  }
0x83: {  	_ =	swait.ge [sflag:s28], $0x4000  }
0x84: {  	[sflag:s28] =	ssyncset.done $0x0  }
0x85: {  	s15 =	simm.s32 $0x600;
	[sflag:s28] =	ssyncadd.s32 $0xFFFFC000  }
0x86: {  	[tilespmem:s26], [sflag:$0x1] =	stream.indirect.gather [hbm4b:s6+s30], $0x80, s15, s30, $0xb8;
	[tilespmem:$0x1DC00] =	vst v63  }
0x87: {  	_ =	swait.ge [sflag:s1], $0x4000  }
0x88: {  	[sflag:s1] =	ssyncset.done $0x0  }
0x89: {  	s16 =	simm.s32 $0xD80;
	[sflag:s1] =	ssyncadd.s32 $0xFFFFC000  }
0x8a: {  	[spmem:s3] =	stream.indirect.scatter.add.f32 [tilespmem:s31], [sflag:$0x3], $0x80, s16, s30, $0xb8;
	[tilespmem:$0x1DC00] =	vst v63  }
0x8b: {  	_ =	swait.ge [sflag:s28], $0x4000  }
0x8c: {  	[sflag:s28] =	ssyncset.done $0x0  }
0x8d: {  	s17 =	simm.s32 $0x680;
	[sflag:s28] =	ssyncadd.s32 $0xFFFFC000  }
0x8e: {  	[tilespmem:s31], [sflag:$0x2] =	stream.indirect.gather [hbm4b:s6+s30], $0x80, s17, s30, $0xb8;
	[tilespmem:$0x1DC00] =	vst v63  }
0x8f: {  	_ =	swait.ge [sflag:s0], $0x4000  }
0x90: {  	[sflag:s0] =	ssyncset.done $0x0  }
0x91: {  	s18 =	simm.s32 $0xE00;
	[sflag:s0] =	ssyncadd.s32 $0xFFFFC000  }
0x92: {  	[spmem:s3] =	stream.indirect.scatter.add.f32 [tilespmem:s26], [sflag:$0x3], $0x80, s18, s30, $0xb8;
	[tilespmem:$0x1DC00] =	vst v63  }
0x93: {  	_ =	swait.ge [sflag:s28], $0x4000  }
0x94: {  	[sflag:s28] =	ssyncset.done $0x0  }
0x95: {  	s19 =	simm.s32 $0x700;
	[sflag:s28] =	ssyncadd.s32 $0xFFFFC000  }
0x96: {  	[tilespmem:s26], [sflag:$0x1] =	stream.indirect.gather [hbm4b:s6+s30], $0x80, s19, s30, $0xb8;
	[tilespmem:$0x1DC00] =	vst v63  }
0x97: {  	_ =	swait.ge [sflag:s1], $0x4000  }
0x98: {  	[sflag:s1] =	ssyncset.done $0x0  }
0x99: {  	s20 =	simm.s32 $0xE80;
	[sflag:s1] =	ssyncadd.s32 $0xFFFFC000  }
0x9a: {  	[spmem:s3] =	stream.indirect.scatter.add.f32 [tilespmem:s31], [sflag:$0x3], $0x80, s20, s30, $0xb8;
	[tilespmem:$0x1DC00] =	vst v63  }
0x9b: {  	_ =	swait.ge [sflag:s28], $0x4000  }
0x9c: {  	[sflag:s28] =	ssyncset.done $0x0  }
0x9d: {  	s21 =	simm.s32 $0x780;
	[sflag:s28] =	ssyncadd.s32 $0xFFFFC000  }
0x9e: {  	[tilespmem:s31], [sflag:$0x2] =	stream.indirect.gather [hbm4b:s6+s30], $0x80, s21, s30, $0xb8;
	[tilespmem:$0x1DC00] =	vst v63  }
0x9f: {  	_ =	swait.ge [sflag:s0], $0x4000  }
0xa0: {  	[sflag:s0] =	ssyncset.done $0x0  }
0xa1: {  	s22 =	simm.s32 $0xF00;
	[sflag:s0] =	ssyncadd.s32 $0xFFFFC000  }
0xa2: {  	[spmem:s3] =	stream.indirect.scatter.add.f32 [tilespmem:s26], [sflag:$0x3], $0x80, s22, s30, $0xb8;
	[tilespmem:$0x1DC00] =	vst v63  }
0xa3: {  	_ =	swait.ge [sflag:s28], $0x4000  }
0xa4: {  	[sflag:s28] =	ssyncset.done $0x0  }
0xa5: {  	[sflag:s28] =	ssyncadd.s32 $0xFFFFC000  }
0xa6: {  	_ =	swait.ge [sflag:s1], $0x4000  }
0xa7: {  	[sflag:s1] =	ssyncset.done $0x0  }
0xa8: {  	s23 =	simm.s32 $0xF80;
	[sflag:s1] =	ssyncadd.s32 $0xFFFFC000  }
0xa9: {  	[spmem:s3] =	stream.indirect.scatter.add.f32 [tilespmem:s31], [sflag:$0x3], $0x80, s23, s30, $0xb8;
	[tilespmem:$0x1DC00] =	vst v63  }
0xaa: {  	_ =	swait.ge [sflag:s28], $0x4000  }
0xab: {  	[sflag:s28] =	ssyncset.done $0x0  }
0xac: {  	s17 =	rddreg [dreg:$0x16];
	[sflag:s28] =	ssyncadd.s32 $0xFFFFC000  }
.LBB2_8:
0xad: {  	[bflag:$0x0] =	sbarrier.arrive $0xFFFF  }
0xae: {  	s10 =	simm.s32 $0x4;
	s2 =	rddreg [dreg:$0x5]  }
0xaf: {  	[tilespmem:s26], [sflag:$0x4] =	stream.linear.gather [spmem:s2], $0x4000, $0x38;
	[tilespmem:$0x1DC00] =	vst v63  }
0xb0: {  	_ =	swait.ge [sflag:s10], $0x4000  }
0xb1: {  	s18 =	simm.s32 $0x4;
	[sflag:s10] =	ssyncset.done $0x0  }
0xb2: {  	s18 =	simm.s32 @!p0 $0x3;
	s20 =	rddreg [dreg:$0xa];
	[sflag:s10] =	ssyncadd.s32 $0xFFFFC000  }
0xb3: {  	[hbm4b:s20+s4] =	stream.linear.scatter [tilespmem:s26], [sflag:s18], $0x4000, $0x38;
	[tilespmem:$0x1DC00] =	vst v63  }
0xb4: {  	_ =	swait.ge [sflag:s18], $0x4000  }
0xb5: {  	[sflag:s18] =	ssyncset.done $0x0  }
0xb6: {  	s11 =	rddreg [dreg:$0x12];
	[sflag:s18] =	ssyncadd.s32 $0xFFFFC000  }
0xb7: {  	[tilespmem:s26], [sflag:$0x4] =	stream.linear.gather [spmem:s11], $0x4000, $0x38;
	[tilespmem:$0x1DC00] =	vst v63  }
0xb8: {  	_ =	swait.ge [sflag:s10], $0x4000  }
0xb9: {  	[sflag:s10] =	ssyncset.done $0x0  }
0xba: {  	s12 =	rddreg [dreg:$0xb];
	[sflag:s10] =	ssyncadd.s32 $0xFFFFC000  }
0xbb: {  	[hbm4b:s12+s4] =	stream.linear.scatter [tilespmem:s26], [sflag:s18], $0x4000, $0x38;
	[tilespmem:$0x1DC00] =	vst v63  }
0xbc: {  	_ =	swait.ge [sflag:s18], $0x4000  }
0xbd: {  	[sflag:s18] =	ssyncset.done $0x0  }
0xbe: {  	s13 =	rddreg [dreg:$0x13];
	[sflag:s18] =	ssyncadd.s32 $0xFFFFC000  }
0xbf: {  	[tilespmem:s26], [sflag:$0x4] =	stream.linear.gather [spmem:s13], $0x4000, $0x38;
	[tilespmem:$0x1DC00] =	vst v63  }
0xc0: {  	_ =	swait.ge [sflag:s10], $0x4000  }
0xc1: {  	[sflag:s10] =	ssyncset.done $0x0  }
0xc2: {  	s14 =	rddreg [dreg:$0xc];
	[sflag:s10] =	ssyncadd.s32 $0xFFFFC000  }
0xc3: {  	[hbm4b:s14+s4] =	stream.linear.scatter [tilespmem:s26], [sflag:s18], $0x4000, $0x38;
	[tilespmem:$0x1DC00] =	vst v63  }
0xc4: {  	_ =	swait.ge [sflag:s18], $0x4000  }
0xc5: {  	[sflag:s18] =	ssyncset.done $0x0  }
0xc6: {  	s15 =	rddreg [dreg:$0x14];
	[sflag:s18] =	ssyncadd.s32 $0xFFFFC000  }
0xc7: {  	[tilespmem:s26], [sflag:$0x4] =	stream.linear.gather [spmem:s15], $0x4000, $0x38;
	[tilespmem:$0x1DC00] =	vst v63  }
0xc8: {  	_ =	swait.ge [sflag:s10], $0x4000  }
0xc9: {  	[sflag:s10] =	ssyncset.done $0x0  }
0xca: {  	s19 =	rddreg [dreg:$0xd];
	[sflag:s10] =	ssyncadd.s32 $0xFFFFC000  }
0xcb: {  	[hbm4b:s19+s4] =	stream.linear.scatter [tilespmem:s26], [sflag:s18], $0x4000, $0x38;
	[tilespmem:$0x1DC00] =	vst v63  }
0xcc: {  	_ =	swait.ge [sflag:s18], $0x4000  }
0xcd: {  	[sflag:s18] =	ssyncset.done $0x0  }
0xce: {  	s21 =	rddreg [dreg:$0x15];
	[sflag:s18] =	ssyncadd.s32 $0xFFFFC000  }
0xcf: {  	[tilespmem:s26], [sflag:$0x4] =	stream.linear.gather [spmem:s21], $0x4000, $0x38;
	[tilespmem:$0x1DC00] =	vst v63  }
0xd0: {  	_ =	swait.ge [sflag:s10], $0x4000  }
0xd1: {  	[sflag:s10] =	ssyncset.done $0x0  }
0xd2: {  	s22 =	rddreg [dreg:$0xe];
	[sflag:s10] =	ssyncadd.s32 $0xFFFFC000  }
0xd3: {  	[hbm4b:s22+s4] =	stream.linear.scatter [tilespmem:s26], [sflag:s18], $0x4000, $0x38;
	[tilespmem:$0x1DC00] =	vst v63  }
0xd4: {  	_ =	swait.ge [sflag:s18], $0x4000  }
0xd5: {  	s20 =	simm.s32 @!p1 $0x1000;
	[sflag:s18] =	ssyncset.done $0x0  }
0xd6: {  	s21 =	simm.s32 @!p1 $0x4;
	s22 =	rddreg [dreg:$0x11];
	[sflag:s18] =	ssyncadd.s32 $0xFFFFC000  }
0xd7: {  	[tilespmem:s20], [sflag:$0x4] =	stream.linear.gather @!p1 [spmem:s22], $0x4000, $0x38;
	[tilespmem:$0x1DC00] =	vst v63  }
0xd8: {  	_ =	swait.ge @!p1 [sflag:s21], $0x4000  }
0xd9: {  	[sflag:s21] =	ssyncset.done @!p1 $0x0  }
0xda: {  	s23 =	rddreg [dreg:$0xf];
	[sflag:s21] =	ssyncadd.s32 @!p1 $0xFFFFC000;
	s21 =	simm.s32 @!p1 $0x0  }
0xdb: {  	[hbm4b:s23+s21] =	stream.linear.scatter @!p1 [tilespmem:s20], [sflag:s18], $0x4000, $0x38;
	[tilespmem:$0x1DC00] =	vst v63  }
0xdc: {  	s17 =	sadd.s32 $0x1, s17;
	_ =	swait.ge @!p1 [sflag:s18], $0x4000  }
0xdd: {  	s7 =	simm.s32 $0x900;
	s8 =	simm.s32 $0x980;
	s23 =	rddreg [dreg:$0x6]  }
0xde: {  	s9 =	simm.s32 $0x280;
	s16 =	smov.u32 s2;
	p3 =	sne.s32 s17, s23  }
.Ltmp1:
0xdf: {  	s2 =	simm.s32 $0x200;
	s11 =	simm.s32 $0x300;
	(pc) =	sbr.rel @!p3 .LBB2_9-.Ltmp1, $4  }
0xe0: {  	s12 =	simm.s32 $0xA80;
	s13 =	simm.s32 $0x380;
	s14 =	simm.s32 $0xB00  }
0xe1: {  	s15 =	simm.s32 $0x400;
	s19 =	simm.s32 $0x180;
	s10 =	simm.s32 $0xA00  }
0xe2: {  	s20 =	smov.u32 s22;
	s21 =	simm.s32 $0x100;
	[sflag:s18] =	ssyncset.done @!p1 $0x0  }
0xe3: {  	s22 =	simm.s32 $0x880;
	[sflag:s18] =	ssyncadd.s32 @!p1 $0xFFFFC000;
	s23 =	simm.s32 $0xB80  }
.LBB2_1:
0xe4: {  	[dreg:$0x16] =	wrdreg s17  }
0xe5: {  	s18 =	rddreg [dreg:$0x1]  }
0xe6: {  	[tilespmem:s26], [sflag:$0x3] =	stream.linear.gather [hbm4b:s18+s4], $0x4000, $0x38;
	[tilespmem:$0x1DC00] =	vst v63  }
0xe7: {  	_ =	swait.ge [sflag:s28], $0x4000  }
0xe8: {  	[sflag:s28] =	ssyncset.done $0x0  }
0xe9: {  	[sflag:s28] =	ssyncadd.s32 $0xFFFFC000  }
0xea: {  	[spmem:s16] =	stream.linear.scatter [tilespmem:s26], [sflag:$0x3], $0x4000, $0x38;
	[tilespmem:$0x1DC00] =	vst v63  }
0xeb: {  	_ =	swait.ge [sflag:s28], $0x4000  }
0xec: {  	[sflag:s28] =	ssyncset.done $0x0  }
0xed: {  	s16 =	rddreg [dreg:$0x7];
	[sflag:s28] =	ssyncadd.s32 $0xFFFFC000  }
0xee: {  	[spmem:s16] =	stream.linear.scatter [tilespmem:s26], [sflag:$0x3], $0x4000, $0x38;
	[tilespmem:$0x1DC00] =	vst v63  }
0xef: {  	_ =	swait.ge [sflag:s28], $0x4000  }
0xf0: {  	[sflag:s28] =	ssyncset.done $0x0  }
0xf1: {  	s17 =	rddreg [dreg:$0x8];
	[sflag:s28] =	ssyncadd.s32 $0xFFFFC000  }
0xf2: {  	[spmem:s17] =	stream.linear.scatter [tilespmem:s26], [sflag:$0x3], $0x4000, $0x38;
	[tilespmem:$0x1DC00] =	vst v63  }
0xf3: {  	_ =	swait.ge [sflag:s28], $0x4000  }
0xf4: {  	[sflag:s28] =	ssyncset.done $0x0  }
0xf5: {  	s16 =	rddreg [dreg:$0x9];
	[sflag:s28] =	ssyncadd.s32 $0xFFFFC000  }
0xf6: {  	[spmem:s16] =	stream.linear.scatter [tilespmem:s26], [sflag:$0x3], $0x4000, $0x38;
	[tilespmem:$0x1DC00] =	vst v63  }
0xf7: {  	_ =	swait.ge [sflag:s28], $0x4000  }
0xf8: {  	[sflag:s28] =	ssyncset.done $0x0  }
0xf9: {  	s17 =	rddreg [dreg:$0x10];
	[sflag:s28] =	ssyncadd.s32 $0xFFFFC000  }
0xfa: {  	[spmem:s17] =	stream.linear.scatter [tilespmem:s26], [sflag:$0x3], $0x4000, $0x38;
	[tilespmem:$0x1DC00] =	vst v63  }
0xfb: {  	_ =	swait.ge [sflag:s28], $0x4000  }
0xfc: {  	[sflag:s28] =	ssyncset.done $0x0  }
0xfd: {  	s18 =	simm.s32 @!p1 $0x1000;
	[sflag:s28] =	ssyncadd.s32 $0xFFFFC000  }
0xfe: {  	[spmem:s20] =	stream.linear.scatter @!p1 [tilespmem:s18], [sflag:$0x3], $0x4000, $0x38;
	[tilespmem:$0x1DC00] =	vst v63  }
0xff: {  	s18 =	simm.s32 @!p1 $0x3  }
.Ltmp2:
0x100: {  	_ =	swait.ge @!p1 [sflag:s18], $0x4000;
	(pc) =	sbr.rel @p2 .LBB2_5-.Ltmp2, $4  }
0x101: {  	[sflag:s18] =	ssyncset.done @!p1 $0x0  }
0x102: {  	[sflag:s18] =	ssyncadd.s32 @!p1 $0xFFFFC000  }
0x103: {  	[bflag:$0x0] =	sbarrier.arrive $0xFFFF  }
0x104: {  	s18 =	sadd.s32 $0x0, s25  }
0x105: {  	[tilespmem:s4], [sflag:$0x3] =	stream.linear.gather [hbm4b:s18+s4], $0x800, $0x38;
	[tilespmem:$0x1DC00] =	vst v63  }
0x106: {  	_ =	swait.ge [sflag:s28], $0x800  }
0x107: {  	[sflag:s28] =	ssyncset.done $0x0  }
0x108: {  	s20 =	sadd.s32 $0x0, s24;
	[sflag:s28] =	ssyncadd.s32 $0xFFFFF800  }
0x109: {  	[tilespmem:s29], [sflag:$0x3] =	stream.linear.gather [hbm4b:s20+s4], $0x800, $0x38;
	[tilespmem:$0x1DC00] =	vst v63  }
0x10a: {  	_ =	swait.ge [sflag:s28], $0x800  }
0x10b: {  	[sflag:s28] =	ssyncset.done $0x0  }
0x10c: {  	[sflag:s28] =	ssyncadd.s32 $0xFFFFF800  }
0x10d: {  	[tilespmem:s26], [sflag:$0x1] =	stream.indirect.gather [hbm4b:s5+s30], $0x80, s4, s30, $0xb8;
	[tilespmem:$0x1DC00] =	vst v63  }
0x10e: {  	_ = 	snop  }
0x10f: {  	[tilespmem:s31], [sflag:$0x2] =	stream.indirect.gather [hbm4b:s5+s30], $0x80, s30, s30, $0xb8;
	[tilespmem:$0x1DC00] =	vst v63  }
0x110: {  	_ =	swait.ge [sflag:s0], $0x4000  }
0x111: {  	[sflag:s0] =	ssyncset.done $0x0  }
0x112: {  	[sflag:s0] =	ssyncadd.s32 $0xFFFFC000  }
0x113: {  	[spmem:s3] =	stream.indirect.scatter.add.f32 [tilespmem:s26], [sflag:$0x3], $0x80, s29, s30, $0xb8;
	[tilespmem:$0x1DC00] =	vst v63  }
0x114: {  	_ =	swait.ge [sflag:s28], $0x4000  }
0x115: {  	[sflag:s28] =	ssyncset.done $0x0  }
0x116: {  	[sflag:s28] =	ssyncadd.s32 $0xFFFFC000  }
0x117: {  	[tilespmem:s26], [sflag:$0x1] =	stream.indirect.gather [hbm4b:s5+s30], $0x80, s21, s30, $0xb8;
	[tilespmem:$0x1DC00] =	vst v63  }
0x118: {  	_ =	swait.ge [sflag:s1], $0x4000  }
0x119: {  	[sflag:s1] =	ssyncset.done $0x0  }
0x11a: {  	[sflag:s1] =	ssyncadd.s32 $0xFFFFC000  }
0x11b: {  	[spmem:s3] =	stream.indirect.scatter.add.f32 [tilespmem:s31], [sflag:$0x3], $0x80, s22, s30, $0xb8;
	[tilespmem:$0x1DC00] =	vst v63  }
0x11c: {  	_ =	swait.ge [sflag:s28], $0x4000  }
0x11d: {  	[sflag:s28] =	ssyncset.done $0x0  }
0x11e: {  	[sflag:s28] =	ssyncadd.s32 $0xFFFFC000  }
0x11f: {  	[tilespmem:s31], [sflag:$0x2] =	stream.indirect.gather [hbm4b:s5+s30], $0x80, s19, s30, $0xb8;
	[tilespmem:$0x1DC00] =	vst v63  }
0x120: {  	_ =	swait.ge [sflag:s0], $0x4000  }
0x121: {  	[sflag:s0] =	ssyncset.done $0x0  }
0x122: {  	[sflag:s0] =	ssyncadd.s32 $0xFFFFC000  }
0x123: {  	[spmem:s3] =	stream.indirect.scatter.add.f32 [tilespmem:s26], [sflag:$0x3], $0x80, s7, s30, $0xb8;
	[tilespmem:$0x1DC00] =	vst v63  }
0x124: {  	_ =	swait.ge [sflag:s28], $0x4000  }
0x125: {  	[sflag:s28] =	ssyncset.done $0x0  }
0x126: {  	[sflag:s28] =	ssyncadd.s32 $0xFFFFC000  }
0x127: {  	[tilespmem:s26], [sflag:$0x1] =	stream.indirect.gather [hbm4b:s5+s30], $0x80, s2, s30, $0xb8;
	[tilespmem:$0x1DC00] =	vst v63  }
0x128: {  	_ =	swait.ge [sflag:s1], $0x4000  }
0x129: {  	[sflag:s1] =	ssyncset.done $0x0  }
0x12a: {  	[sflag:s1] =	ssyncadd.s32 $0xFFFFC000  }
0x12b: {  	[spmem:s3] =	stream.indirect.scatter.add.f32 [tilespmem:s31], [sflag:$0x3], $0x80, s8, s30, $0xb8;
	[tilespmem:$0x1DC00] =	vst v63  }
0x12c: {  	_ =	swait.ge [sflag:s28], $0x4000  }
0x12d: {  	[sflag:s28] =	ssyncset.done $0x0  }
0x12e: {  	[sflag:s28] =	ssyncadd.s32 $0xFFFFC000  }
0x12f: {  	[tilespmem:s31], [sflag:$0x2] =	stream.indirect.gather [hbm4b:s5+s30], $0x80, s9, s30, $0xb8;
	[tilespmem:$0x1DC00] =	vst v63  }
0x130: {  	_ =	swait.ge [sflag:s0], $0x4000  }
0x131: {  	[sflag:s0] =	ssyncset.done $0x0  }
0x132: {  	[sflag:s0] =	ssyncadd.s32 $0xFFFFC000  }
0x133: {  	[spmem:s3] =	stream.indirect.scatter.add.f32 [tilespmem:s26], [sflag:$0x3], $0x80, s10, s30, $0xb8;
	[tilespmem:$0x1DC00] =	vst v63  }
0x134: {  	_ =	swait.ge [sflag:s28], $0x4000  }
0x135: {  	[sflag:s28] =	ssyncset.done $0x0  }
0x136: {  	[sflag:s28] =	ssyncadd.s32 $0xFFFFC000  }
0x137: {  	[tilespmem:s26], [sflag:$0x1] =	stream.indirect.gather [hbm4b:s5+s30], $0x80, s11, s30, $0xb8;
	[tilespmem:$0x1DC00] =	vst v63  }
0x138: {  	_ =	swait.ge [sflag:s1], $0x4000  }
0x139: {  	[sflag:s1] =	ssyncset.done $0x0  }
0x13a: {  	[sflag:s1] =	ssyncadd.s32 $0xFFFFC000  }
0x13b: {  	[spmem:s3] =	stream.indirect.scatter.add.f32 [tilespmem:s31], [sflag:$0x3], $0x80, s12, s30, $0xb8;
	[tilespmem:$0x1DC00] =	vst v63  }
0x13c: {  	_ =	swait.ge [sflag:s28], $0x4000  }
0x13d: {  	[sflag:s28] =	ssyncset.done $0x0  }
0x13e: {  	[sflag:s28] =	ssyncadd.s32 $0xFFFFC000  }
0x13f: {  	[tilespmem:s31], [sflag:$0x2] =	stream.indirect.gather [hbm4b:s5+s30], $0x80, s13, s30, $0xb8;
	[tilespmem:$0x1DC00] =	vst v63  }
0x140: {  	_ =	swait.ge [sflag:s0], $0x4000  }
0x141: {  	[sflag:s0] =	ssyncset.done $0x0  }
0x142: {  	[sflag:s0] =	ssyncadd.s32 $0xFFFFC000  }
0x143: {  	[spmem:s3] =	stream.indirect.scatter.add.f32 [tilespmem:s26], [sflag:$0x3], $0x80, s14, s30, $0xb8;
	[tilespmem:$0x1DC00] =	vst v63  }
0x144: {  	_ =	swait.ge [sflag:s28], $0x4000  }
0x145: {  	[sflag:s28] =	ssyncset.done $0x0  }
0x146: {  	[sflag:s28] =	ssyncadd.s32 $0xFFFFC000  }
0x147: {  	[tilespmem:s26], [sflag:$0x1] =	stream.indirect.gather [hbm4b:s5+s30], $0x80, s15, s30, $0xb8;
	[tilespmem:$0x1DC00] =	vst v63  }
0x148: {  	_ =	swait.ge [sflag:s1], $0x4000  }
0x149: {  	[sflag:s1] =	ssyncset.done $0x0  }
0x14a: {  	[sflag:s1] =	ssyncadd.s32 $0xFFFFC000  }
0x14b: {  	[spmem:s3] =	stream.indirect.scatter.add.f32 [tilespmem:s31], [sflag:$0x3], $0x80, s23, s30, $0xb8;
	[tilespmem:$0x1DC00] =	vst v63  }
0x14c: {  	_ =	swait.ge [sflag:s28], $0x4000  }
0x14d: {  	[sflag:s28] =	ssyncset.done $0x0  }
0x14e: {  	s9 =	simm.s32 $0x480;
	[sflag:s28] =	ssyncadd.s32 $0xFFFFC000  }
0x14f: {  	[tilespmem:s31], [sflag:$0x2] =	stream.indirect.gather [hbm4b:s5+s30], $0x80, s9, s30, $0xb8;
	[tilespmem:$0x1DC00] =	vst v63  }
0x150: {  	_ =	swait.ge [sflag:s0], $0x4000  }
0x151: {  	[sflag:s0] =	ssyncset.done $0x0  }
0x152: {  	s10 =	simm.s32 $0xC00;
	[sflag:s0] =	ssyncadd.s32 $0xFFFFC000  }
0x153: {  	[spmem:s3] =	stream.indirect.scatter.add.f32 [tilespmem:s26], [sflag:$0x3], $0x80, s10, s30, $0xb8;
	[tilespmem:$0x1DC00] =	vst v63  }
0x154: {  	_ =	swait.ge [sflag:s28], $0x4000  }
0x155: {  	[sflag:s28] =	ssyncset.done $0x0  }
0x156: {  	s11 =	simm.s32 $0x500;
	[sflag:s28] =	ssyncadd.s32 $0xFFFFC000  }
0x157: {  	[tilespmem:s26], [sflag:$0x1] =	stream.indirect.gather [hbm4b:s5+s30], $0x80, s11, s30, $0xb8;
	[tilespmem:$0x1DC00] =	vst v63  }
0x158: {  	_ =	swait.ge [sflag:s1], $0x4000  }
0x159: {  	[sflag:s1] =	ssyncset.done $0x0  }
0x15a: {  	s12 =	simm.s32 $0xC80;
	[sflag:s1] =	ssyncadd.s32 $0xFFFFC000  }
0x15b: {  	[spmem:s3] =	stream.indirect.scatter.add.f32 [tilespmem:s31], [sflag:$0x3], $0x80, s12, s30, $0xb8;
	[tilespmem:$0x1DC00] =	vst v63  }
0x15c: {  	_ =	swait.ge [sflag:s28], $0x4000  }
0x15d: {  	[sflag:s28] =	ssyncset.done $0x0  }
0x15e: {  	s13 =	simm.s32 $0x580;
	[sflag:s28] =	ssyncadd.s32 $0xFFFFC000  }
0x15f: {  	[tilespmem:s31], [sflag:$0x2] =	stream.indirect.gather [hbm4b:s5+s30], $0x80, s13, s30, $0xb8;
	[tilespmem:$0x1DC00] =	vst v63  }
0x160: {  	_ =	swait.ge [sflag:s0], $0x4000  }
0x161: {  	[sflag:s0] =	ssyncset.done $0x0  }
0x162: {  	s14 =	simm.s32 $0xD00;
	[sflag:s0] =	ssyncadd.s32 $0xFFFFC000  }
0x163: {  	[spmem:s3] =	stream.indirect.scatter.add.f32 [tilespmem:s26], [sflag:$0x3], $0x80, s14, s30, $0xb8;
	[tilespmem:$0x1DC00] =	vst v63  }
0x164: {  	_ =	swait.ge [sflag:s28], $0x4000  }
0x165: {  	[sflag:s28] =	ssyncset.done $0x0  }
0x166: {  	s15 =	simm.s32 $0x600;
	[sflag:s28] =	ssyncadd.s32 $0xFFFFC000  }
0x167: {  	[tilespmem:s26], [sflag:$0x1] =	stream.indirect.gather [hbm4b:s5+s30], $0x80, s15, s30, $0xb8;
	[tilespmem:$0x1DC00] =	vst v63  }
0x168: {  	_ =	swait.ge [sflag:s1], $0x4000  }
0x169: {  	[sflag:s1] =	ssyncset.done $0x0  }
0x16a: {  	s16 =	simm.s32 $0xD80;
	[sflag:s1] =	ssyncadd.s32 $0xFFFFC000  }
0x16b: {  	[spmem:s3] =	stream.indirect.scatter.add.f32 [tilespmem:s31], [sflag:$0x3], $0x80, s16, s30, $0xb8;
	[tilespmem:$0x1DC00] =	vst v63  }
0x16c: {  	_ =	swait.ge [sflag:s28], $0x4000  }
0x16d: {  	[sflag:s28] =	ssyncset.done $0x0  }
0x16e: {  	s17 =	simm.s32 $0x680;
	[sflag:s28] =	ssyncadd.s32 $0xFFFFC000  }
0x16f: {  	[tilespmem:s31], [sflag:$0x2] =	stream.indirect.gather [hbm4b:s5+s30], $0x80, s17, s30, $0xb8;
	[tilespmem:$0x1DC00] =	vst v63  }
0x170: {  	_ =	swait.ge [sflag:s0], $0x4000  }
0x171: {  	[sflag:s0] =	ssyncset.done $0x0  }
0x172: {  	s18 =	simm.s32 $0xE00;
	[sflag:s0] =	ssyncadd.s32 $0xFFFFC000  }
0x173: {  	[spmem:s3] =	stream.indirect.scatter.add.f32 [tilespmem:s26], [sflag:$0x3], $0x80, s18, s30, $0xb8;
	[tilespmem:$0x1DC00] =	vst v63  }
0x174: {  	_ =	swait.ge [sflag:s28], $0x4000  }
0x175: {  	[sflag:s28] =	ssyncset.done $0x0  }
0x176: {  	s19 =	simm.s32 $0x700;
	[sflag:s28] =	ssyncadd.s32 $0xFFFFC000  }
0x177: {  	[tilespmem:s26], [sflag:$0x1] =	stream.indirect.gather [hbm4b:s5+s30], $0x80, s19, s30, $0xb8;
	[tilespmem:$0x1DC00] =	vst v63  }
0x178: {  	_ =	swait.ge [sflag:s1], $0x4000  }
0x179: {  	[sflag:s1] =	ssyncset.done $0x0  }
0x17a: {  	s20 =	simm.s32 $0xE80;
	[sflag:s1] =	ssyncadd.s32 $0xFFFFC000  }
0x17b: {  	[spmem:s3] =	stream.indirect.scatter.add.f32 [tilespmem:s31], [sflag:$0x3], $0x80, s20, s30, $0xb8;
	[tilespmem:$0x1DC00] =	vst v63  }
0x17c: {  	_ =	swait.ge [sflag:s28], $0x4000  }
0x17d: {  	[sflag:s28] =	ssyncset.done $0x0  }
0x17e: {  	s21 =	simm.s32 $0x780;
	[sflag:s28] =	ssyncadd.s32 $0xFFFFC000  }
0x17f: {  	[tilespmem:s31], [sflag:$0x2] =	stream.indirect.gather [hbm4b:s5+s30], $0x80, s21, s30, $0xb8;
	[tilespmem:$0x1DC00] =	vst v63  }
0x180: {  	_ =	swait.ge [sflag:s0], $0x4000  }
0x181: {  	[sflag:s0] =	ssyncset.done $0x0  }
0x182: {  	s22 =	simm.s32 $0xF00;
	[sflag:s0] =	ssyncadd.s32 $0xFFFFC000  }
0x183: {  	[spmem:s3] =	stream.indirect.scatter.add.f32 [tilespmem:s26], [sflag:$0x3], $0x80, s22, s30, $0xb8;
	[tilespmem:$0x1DC00] =	vst v63  }
0x184: {  	s7 =	simm.s32 $0x900;
	s2 =	simm.s32 $0x200;
	_ =	swait.ge [sflag:s28], $0x4000  }
0x185: {  	s8 =	simm.s32 $0x980;
	s23 =	simm.s32 $0xF80;
	[sflag:s28] =	ssyncset.done $0x0  }
0x186: {  	s9 =	simm.s32 $0x280;
	s10 =	simm.s32 $0xA00;
	[sflag:s28] =	ssyncadd.s32 $0xFFFFC000  }
0x187: {  	s11 =	simm.s32 $0x300;
	s12 =	simm.s32 $0xA80;
	_ =	swait.ge [sflag:s1], $0x4000  }
0x188: {  	s13 =	simm.s32 $0x380;
	s14 =	simm.s32 $0xB00;
	[sflag:s1] =	ssyncset.done $0x0  }
0x189: {  	s15 =	simm.s32 $0x400;
	s16 =	simm.s32 $0xB80;
	[sflag:s1] =	ssyncadd.s32 $0xFFFFC000  }
0x18a: {  	[spmem:s3] =	stream.indirect.scatter.add.f32 [tilespmem:s31], [sflag:$0x3], $0x80, s23, s30, $0xb8;
	[tilespmem:$0x1DC00] =	vst v63  }
0x18b: {  	s17 =	simm.s32 $0x480;
	s18 =	simm.s32 $0x100;
	_ =	swait.ge [sflag:s28], $0x4000  }
0x18c: {  	s19 =	simm.s32 $0x180;
	s20 =	simm.s32 $0x200;
	[sflag:s28] =	ssyncset.done $0x0  }
.LBB2_3:
0x18d: {  	s22 =	sadd.s32 s18, s25  }
0x18e: {  	[sflag:s28] =	ssyncadd.s32 $0xFFFFC000;
	s23 =	smov.u32 s20;
	s21 =	sadd.s32 $0x100, s20  }
0x18f: {  	[tilespmem:s4], [sflag:$0x3] =	stream.linear.gather [hbm4b:s22+s4], $0x800, $0x38;
	[tilespmem:$0x1DC00] =	vst v63  }
0x190: {  	s22 =	simm.s32 $0x100  }
0x191: {  	p3 =	seq.s32 s20, $0x400;
	_ =	swait.ge [sflag:s28], $0x800  }
0x192: {  	s20 =	sadd.s32 s18, s24;
	[sflag:s28] =	ssyncset.done $0x0  }
0x193: {  	s18 =	smov.u32 s23;
	s23 =	simm.s32 $0x880;
	[sflag:s28] =	ssyncadd.s32 $0xFFFFF800  }
0x194: {  	[tilespmem:s29], [sflag:$0x3] =	stream.linear.gather [hbm4b:s20+s4], $0x800, $0x38;
	[tilespmem:$0x1DC00] =	vst v63  }
0x195: {  	_ =	swait.ge [sflag:s28], $0x800  }
0x196: {  	[sflag:s28] =	ssyncset.done $0x0  }
0x197: {  	[sflag:s28] =	ssyncadd.s32 $0xFFFFF800  }
0x198: {  	[tilespmem:s26], [sflag:$0x1] =	stream.indirect.gather [hbm4b:s5+s30], $0x80, s4, s30, $0xb8;
	[tilespmem:$0x1DC00] =	vst v63  }
0x199: {  	_ = 	snop  }
0x19a: {  	[tilespmem:s31], [sflag:$0x2] =	stream.indirect.gather [hbm4b:s5+s30], $0x80, s30, s30, $0xb8;
	[tilespmem:$0x1DC00] =	vst v63  }
0x19b: {  	_ =	swait.ge [sflag:s0], $0x4000  }
0x19c: {  	[sflag:s0] =	ssyncset.done $0x0  }
0x19d: {  	[sflag:s0] =	ssyncadd.s32 $0xFFFFC000  }
0x19e: {  	[spmem:s3] =	stream.indirect.scatter.add.f32 [tilespmem:s26], [sflag:$0x3], $0x80, s29, s30, $0xb8;
	[tilespmem:$0x1DC00] =	vst v63  }
0x19f: {  	_ =	swait.ge [sflag:s28], $0x4000  }
0x1a0: {  	[sflag:s28] =	ssyncset.done $0x0  }
0x1a1: {  	[sflag:s28] =	ssyncadd.s32 $0xFFFFC000  }
0x1a2: {  	[tilespmem:s26], [sflag:$0x1] =	stream.indirect.gather [hbm4b:s5+s30], $0x80, s22, s30, $0xb8;
	[tilespmem:$0x1DC00] =	vst v63  }
0x1a3: {  	_ =	swait.ge [sflag:s1], $0x4000  }
0x1a4: {  	[sflag:s1] =	ssyncset.done $0x0  }
0x1a5: {  	[sflag:s1] =	ssyncadd.s32 $0xFFFFC000  }
0x1a6: {  	[spmem:s3] =	stream.indirect.scatter.add.f32 [tilespmem:s31], [sflag:$0x3], $0x80, s23, s30, $0xb8;
	[tilespmem:$0x1DC00] =	vst v63  }
0x1a7: {  	_ =	swait.ge [sflag:s28], $0x4000  }
0x1a8: {  	[sflag:s28] =	ssyncset.done $0x0  }
0x1a9: {  	[sflag:s28] =	ssyncadd.s32 $0xFFFFC000  }
0x1aa: {  	[tilespmem:s31], [sflag:$0x2] =	stream.indirect.gather [hbm4b:s5+s30], $0x80, s19, s30, $0xb8;
	[tilespmem:$0x1DC00] =	vst v63  }
0x1ab: {  	_ =	swait.ge [sflag:s0], $0x4000  }
0x1ac: {  	[sflag:s0] =	ssyncset.done $0x0  }
0x1ad: {  	[sflag:s0] =	ssyncadd.s32 $0xFFFFC000  }
0x1ae: {  	[spmem:s3] =	stream.indirect.scatter.add.f32 [tilespmem:s26], [sflag:$0x3], $0x80, s7, s30, $0xb8;
	[tilespmem:$0x1DC00] =	vst v63  }
0x1af: {  	_ =	swait.ge [sflag:s28], $0x4000  }
0x1b0: {  	[sflag:s28] =	ssyncset.done $0x0  }
0x1b1: {  	[sflag:s28] =	ssyncadd.s32 $0xFFFFC000  }
0x1b2: {  	[tilespmem:s26], [sflag:$0x1] =	stream.indirect.gather [hbm4b:s5+s30], $0x80, s2, s30, $0xb8;
	[tilespmem:$0x1DC00] =	vst v63  }
0x1b3: {  	_ =	swait.ge [sflag:s1], $0x4000  }
0x1b4: {  	[sflag:s1] =	ssyncset.done $0x0  }
0x1b5: {  	[sflag:s1] =	ssyncadd.s32 $0xFFFFC000  }
0x1b6: {  	[spmem:s3] =	stream.indirect.scatter.add.f32 [tilespmem:s31], [sflag:$0x3], $0x80, s8, s30, $0xb8;
	[tilespmem:$0x1DC00] =	vst v63  }
0x1b7: {  	_ =	swait.ge [sflag:s28], $0x4000  }
0x1b8: {  	[sflag:s28] =	ssyncset.done $0x0  }
0x1b9: {  	[sflag:s28] =	ssyncadd.s32 $0xFFFFC000  }
0x1ba: {  	[tilespmem:s31], [sflag:$0x2] =	stream.indirect.gather [hbm4b:s5+s30], $0x80, s9, s30, $0xb8;
	[tilespmem:$0x1DC00] =	vst v63  }
0x1bb: {  	_ =	swait.ge [sflag:s0], $0x4000  }
0x1bc: {  	[sflag:s0] =	ssyncset.done $0x0  }
0x1bd: {  	[sflag:s0] =	ssyncadd.s32 $0xFFFFC000  }
0x1be: {  	[spmem:s3] =	stream.indirect.scatter.add.f32 [tilespmem:s26], [sflag:$0x3], $0x80, s10, s30, $0xb8;
	[tilespmem:$0x1DC00] =	vst v63  }
0x1bf: {  	_ =	swait.ge [sflag:s28], $0x4000  }
0x1c0: {  	[sflag:s28] =	ssyncset.done $0x0  }
0x1c1: {  	[sflag:s28] =	ssyncadd.s32 $0xFFFFC000  }
0x1c2: {  	[tilespmem:s26], [sflag:$0x1] =	stream.indirect.gather [hbm4b:s5+s30], $0x80, s11, s30, $0xb8;
	[tilespmem:$0x1DC00] =	vst v63  }
0x1c3: {  	_ =	swait.ge [sflag:s1], $0x4000  }
0x1c4: {  	[sflag:s1] =	ssyncset.done $0x0  }
0x1c5: {  	[sflag:s1] =	ssyncadd.s32 $0xFFFFC000  }
0x1c6: {  	[spmem:s3] =	stream.indirect.scatter.add.f32 [tilespmem:s31], [sflag:$0x3], $0x80, s12, s30, $0xb8;
	[tilespmem:$0x1DC00] =	vst v63  }
0x1c7: {  	_ =	swait.ge [sflag:s28], $0x4000  }
0x1c8: {  	[sflag:s28] =	ssyncset.done $0x0  }
0x1c9: {  	[sflag:s28] =	ssyncadd.s32 $0xFFFFC000  }
0x1ca: {  	[tilespmem:s31], [sflag:$0x2] =	stream.indirect.gather [hbm4b:s5+s30], $0x80, s13, s30, $0xb8;
	[tilespmem:$0x1DC00] =	vst v63  }
0x1cb: {  	_ =	swait.ge [sflag:s0], $0x4000  }
0x1cc: {  	[sflag:s0] =	ssyncset.done $0x0  }
0x1cd: {  	[sflag:s0] =	ssyncadd.s32 $0xFFFFC000  }
0x1ce: {  	[spmem:s3] =	stream.indirect.scatter.add.f32 [tilespmem:s26], [sflag:$0x3], $0x80, s14, s30, $0xb8;
	[tilespmem:$0x1DC00] =	vst v63  }
0x1cf: {  	_ =	swait.ge [sflag:s28], $0x4000  }
0x1d0: {  	[sflag:s28] =	ssyncset.done $0x0  }
0x1d1: {  	[sflag:s28] =	ssyncadd.s32 $0xFFFFC000  }
0x1d2: {  	[tilespmem:s26], [sflag:$0x1] =	stream.indirect.gather [hbm4b:s5+s30], $0x80, s15, s30, $0xb8;
	[tilespmem:$0x1DC00] =	vst v63  }
0x1d3: {  	_ =	swait.ge [sflag:s1], $0x4000  }
0x1d4: {  	[sflag:s1] =	ssyncset.done $0x0  }
0x1d5: {  	[sflag:s1] =	ssyncadd.s32 $0xFFFFC000  }
0x1d6: {  	[spmem:s3] =	stream.indirect.scatter.add.f32 [tilespmem:s31], [sflag:$0x3], $0x80, s16, s30, $0xb8;
	[tilespmem:$0x1DC00] =	vst v63  }
0x1d7: {  	_ =	swait.ge [sflag:s28], $0x4000  }
0x1d8: {  	[sflag:s28] =	ssyncset.done $0x0  }
0x1d9: {  	[sflag:s28] =	ssyncadd.s32 $0xFFFFC000  }
0x1da: {  	[tilespmem:s31], [sflag:$0x2] =	stream.indirect.gather [hbm4b:s5+s30], $0x80, s17, s30, $0xb8;
	[tilespmem:$0x1DC00] =	vst v63  }
0x1db: {  	_ =	swait.ge [sflag:s0], $0x4000  }
0x1dc: {  	[sflag:s0] =	ssyncset.done $0x0  }
0x1dd: {  	s20 =	simm.s32 $0xC00;
	[sflag:s0] =	ssyncadd.s32 $0xFFFFC000  }
0x1de: {  	[spmem:s3] =	stream.indirect.scatter.add.f32 [tilespmem:s26], [sflag:$0x3], $0x80, s20, s30, $0xb8;
	[tilespmem:$0x1DC00] =	vst v63  }
0x1df: {  	_ =	swait.ge [sflag:s28], $0x4000  }
0x1e0: {  	[sflag:s28] =	ssyncset.done $0x0  }
0x1e1: {  	s20 =	simm.s32 $0x500;
	[sflag:s28] =	ssyncadd.s32 $0xFFFFC000  }
0x1e2: {  	[tilespmem:s26], [sflag:$0x1] =	stream.indirect.gather [hbm4b:s5+s30], $0x80, s20, s30, $0xb8;
	[tilespmem:$0x1DC00] =	vst v63  }
0x1e3: {  	_ =	swait.ge [sflag:s1], $0x4000  }
0x1e4: {  	[sflag:s1] =	ssyncset.done $0x0  }
0x1e5: {  	s20 =	simm.s32 $0xC80;
	[sflag:s1] =	ssyncadd.s32 $0xFFFFC000  }
0x1e6: {  	[spmem:s3] =	stream.indirect.scatter.add.f32 [tilespmem:s31], [sflag:$0x3], $0x80, s20, s30, $0xb8;
	[tilespmem:$0x1DC00] =	vst v63  }
0x1e7: {  	_ =	swait.ge [sflag:s28], $0x4000  }
0x1e8: {  	[sflag:s28] =	ssyncset.done $0x0  }
0x1e9: {  	s20 =	simm.s32 $0x580;
	[sflag:s28] =	ssyncadd.s32 $0xFFFFC000  }
0x1ea: {  	[tilespmem:s31], [sflag:$0x2] =	stream.indirect.gather [hbm4b:s5+s30], $0x80, s20, s30, $0xb8;
	[tilespmem:$0x1DC00] =	vst v63  }
0x1eb: {  	_ =	swait.ge [sflag:s0], $0x4000  }
0x1ec: {  	[sflag:s0] =	ssyncset.done $0x0  }
0x1ed: {  	s20 =	simm.s32 $0xD00;
	[sflag:s0] =	ssyncadd.s32 $0xFFFFC000  }
0x1ee: {  	[spmem:s3] =	stream.indirect.scatter.add.f32 [tilespmem:s26], [sflag:$0x3], $0x80, s20, s30, $0xb8;
	[tilespmem:$0x1DC00] =	vst v63  }
0x1ef: {  	_ =	swait.ge [sflag:s28], $0x4000  }
0x1f0: {  	[sflag:s28] =	ssyncset.done $0x0  }
0x1f1: {  	s20 =	simm.s32 $0x600;
	[sflag:s28] =	ssyncadd.s32 $0xFFFFC000  }
0x1f2: {  	[tilespmem:s26], [sflag:$0x1] =	stream.indirect.gather [hbm4b:s5+s30], $0x80, s20, s30, $0xb8;
	[tilespmem:$0x1DC00] =	vst v63  }
0x1f3: {  	_ =	swait.ge [sflag:s1], $0x4000  }
0x1f4: {  	[sflag:s1] =	ssyncset.done $0x0  }
0x1f5: {  	s20 =	simm.s32 $0xD80;
	[sflag:s1] =	ssyncadd.s32 $0xFFFFC000  }
0x1f6: {  	[spmem:s3] =	stream.indirect.scatter.add.f32 [tilespmem:s31], [sflag:$0x3], $0x80, s20, s30, $0xb8;
	[tilespmem:$0x1DC00] =	vst v63  }
0x1f7: {  	_ =	swait.ge [sflag:s28], $0x4000  }
0x1f8: {  	[sflag:s28] =	ssyncset.done $0x0  }
0x1f9: {  	s20 =	simm.s32 $0x680;
	[sflag:s28] =	ssyncadd.s32 $0xFFFFC000  }
0x1fa: {  	[tilespmem:s31], [sflag:$0x2] =	stream.indirect.gather [hbm4b:s5+s30], $0x80, s20, s30, $0xb8;
	[tilespmem:$0x1DC00] =	vst v63  }
0x1fb: {  	_ =	swait.ge [sflag:s0], $0x4000  }
0x1fc: {  	[sflag:s0] =	ssyncset.done $0x0  }
0x1fd: {  	s20 =	simm.s32 $0xE00;
	[sflag:s0] =	ssyncadd.s32 $0xFFFFC000  }
0x1fe: {  	[spmem:s3] =	stream.indirect.scatter.add.f32 [tilespmem:s26], [sflag:$0x3], $0x80, s20, s30, $0xb8;
	[tilespmem:$0x1DC00] =	vst v63  }
0x1ff: {  	_ =	swait.ge [sflag:s28], $0x4000  }
0x200: {  	[sflag:s28] =	ssyncset.done $0x0  }
0x201: {  	s20 =	simm.s32 $0x700;
	[sflag:s28] =	ssyncadd.s32 $0xFFFFC000  }
0x202: {  	[tilespmem:s26], [sflag:$0x1] =	stream.indirect.gather [hbm4b:s5+s30], $0x80, s20, s30, $0xb8;
	[tilespmem:$0x1DC00] =	vst v63  }
0x203: {  	_ =	swait.ge [sflag:s1], $0x4000  }
0x204: {  	[sflag:s1] =	ssyncset.done $0x0  }
0x205: {  	s20 =	simm.s32 $0xE80;
	[sflag:s1] =	ssyncadd.s32 $0xFFFFC000  }
0x206: {  	[spmem:s3] =	stream.indirect.scatter.add.f32 [tilespmem:s31], [sflag:$0x3], $0x80, s20, s30, $0xb8;
	[tilespmem:$0x1DC00] =	vst v63  }
0x207: {  	_ =	swait.ge [sflag:s28], $0x4000  }
0x208: {  	[sflag:s28] =	ssyncset.done $0x0  }
0x209: {  	s20 =	simm.s32 $0x780;
	[sflag:s28] =	ssyncadd.s32 $0xFFFFC000  }
0x20a: {  	[tilespmem:s31], [sflag:$0x2] =	stream.indirect.gather [hbm4b:s5+s30], $0x80, s20, s30, $0xb8;
	[tilespmem:$0x1DC00] =	vst v63  }
0x20b: {  	_ =	swait.ge [sflag:s0], $0x4000  }
0x20c: {  	[sflag:s0] =	ssyncset.done $0x0  }
0x20d: {  	s20 =	simm.s32 $0xF00;
	[sflag:s0] =	ssyncadd.s32 $0xFFFFC000  }
0x20e: {  	[spmem:s3] =	stream.indirect.scatter.add.f32 [tilespmem:s26], [sflag:$0x3], $0x80, s20, s30, $0xb8;
	[tilespmem:$0x1DC00] =	vst v63  }
0x20f: {  	_ =	swait.ge [sflag:s28], $0x4000  }
0x210: {  	[sflag:s28] =	ssyncset.done $0x0  }
0x211: {  	[sflag:s28] =	ssyncadd.s32 $0xFFFFC000  }
0x212: {  	_ =	swait.ge [sflag:s1], $0x4000  }
.Ltmp3:
0x213: {  	[sflag:s1] =	ssyncset.done $0x0;
	(pc) =	sbr.rel @!p3 .LBB2_3-.Ltmp3, $4  }
0x214: {  	s20 =	simm.s32 $0xF80;
	[sflag:s1] =	ssyncadd.s32 $0xFFFFC000  }
0x215: {  	[spmem:s3] =	stream.indirect.scatter.add.f32 [tilespmem:s31], [sflag:$0x3], $0x80, s20, s30, $0xb8;
	[tilespmem:$0x1DC00] =	vst v63  }
0x216: {  	_ =	swait.ge [sflag:s28], $0x4000  }
0x217: {  	s20 =	smov.u32 s21;
	[sflag:s28] =	ssyncset.done $0x0  }
0x218: {  	s20 =	sadd.s32 s18, s25;
	[sflag:s28] =	ssyncadd.s32 $0xFFFFC000  }
0x219: {  	[tilespmem:s4], [sflag:$0x3] =	stream.linear.gather [hbm4b:s20+s4], $0x800, $0x38;
	[tilespmem:$0x1DC00] =	vst v63  }
0x21a: {  	_ =	swait.ge [sflag:s28], $0x800  }
0x21b: {  	[sflag:s28] =	ssyncset.done $0x0  }
0x21c: {  	s21 =	sadd.s32 s18, s24;
	[sflag:s28] =	ssyncadd.s32 $0xFFFFF800  }
0x21d: {  	[tilespmem:s29], [sflag:$0x3] =	stream.linear.gather [hbm4b:s21+s4], $0x800, $0x38;
	[tilespmem:$0x1DC00] =	vst v63  }
0x21e: {  	_ =	swait.ge [sflag:s28], $0x800  }
0x21f: {  	[sflag:s28] =	ssyncset.done $0x0  }
0x220: {  	[sflag:s28] =	ssyncadd.s32 $0xFFFFF800  }
0x221: {  	[tilespmem:s26], [sflag:$0x1] =	stream.indirect.gather [hbm4b:s5+s30], $0x80, s4, s30, $0xb8;
	[tilespmem:$0x1DC00] =	vst v63  }
0x222: {  	_ = 	snop  }
0x223: {  	[tilespmem:s31], [sflag:$0x2] =	stream.indirect.gather [hbm4b:s5+s30], $0x80, s30, s30, $0xb8;
	[tilespmem:$0x1DC00] =	vst v63  }
0x224: {  	_ =	swait.ge [sflag:s0], $0x4000  }
0x225: {  	[sflag:s0] =	ssyncset.done $0x0  }
0x226: {  	[sflag:s0] =	ssyncadd.s32 $0xFFFFC000  }
0x227: {  	[spmem:s3] =	stream.indirect.scatter.add.f32 [tilespmem:s26], [sflag:$0x3], $0x80, s29, s30, $0xb8;
	[tilespmem:$0x1DC00] =	vst v63  }
0x228: {  	_ =	swait.ge [sflag:s28], $0x4000  }
0x229: {  	[sflag:s28] =	ssyncset.done $0x0  }
0x22a: {  	[sflag:s28] =	ssyncadd.s32 $0xFFFFC000  }
0x22b: {  	[tilespmem:s26], [sflag:$0x1] =	stream.indirect.gather [hbm4b:s5+s30], $0x80, s22, s30, $0xb8;
	[tilespmem:$0x1DC00] =	vst v63  }
0x22c: {  	_ =	swait.ge [sflag:s1], $0x4000  }
0x22d: {  	[sflag:s1] =	ssyncset.done $0x0  }
0x22e: {  	[sflag:s1] =	ssyncadd.s32 $0xFFFFC000  }
0x22f: {  	[spmem:s3] =	stream.indirect.scatter.add.f32 [tilespmem:s31], [sflag:$0x3], $0x80, s23, s30, $0xb8;
	[tilespmem:$0x1DC00] =	vst v63  }
0x230: {  	_ =	swait.ge [sflag:s28], $0x4000  }
0x231: {  	[sflag:s28] =	ssyncset.done $0x0  }
0x232: {  	[sflag:s28] =	ssyncadd.s32 $0xFFFFC000  }
0x233: {  	[tilespmem:s31], [sflag:$0x2] =	stream.indirect.gather [hbm4b:s5+s30], $0x80, s19, s30, $0xb8;
	[tilespmem:$0x1DC00] =	vst v63  }
0x234: {  	_ =	swait.ge [sflag:s0], $0x4000  }
0x235: {  	[sflag:s0] =	ssyncset.done $0x0  }
0x236: {  	[sflag:s0] =	ssyncadd.s32 $0xFFFFC000  }
0x237: {  	[spmem:s3] =	stream.indirect.scatter.add.f32 [tilespmem:s26], [sflag:$0x3], $0x80, s7, s30, $0xb8;
	[tilespmem:$0x1DC00] =	vst v63  }
0x238: {  	_ =	swait.ge [sflag:s28], $0x4000  }
0x239: {  	[sflag:s28] =	ssyncset.done $0x0  }
0x23a: {  	[sflag:s28] =	ssyncadd.s32 $0xFFFFC000  }
0x23b: {  	[tilespmem:s26], [sflag:$0x1] =	stream.indirect.gather [hbm4b:s5+s30], $0x80, s2, s30, $0xb8;
	[tilespmem:$0x1DC00] =	vst v63  }
0x23c: {  	_ =	swait.ge [sflag:s1], $0x4000  }
0x23d: {  	[sflag:s1] =	ssyncset.done $0x0  }
0x23e: {  	[sflag:s1] =	ssyncadd.s32 $0xFFFFC000  }
0x23f: {  	[spmem:s3] =	stream.indirect.scatter.add.f32 [tilespmem:s31], [sflag:$0x3], $0x80, s8, s30, $0xb8;
	[tilespmem:$0x1DC00] =	vst v63  }
0x240: {  	_ =	swait.ge [sflag:s28], $0x4000  }
0x241: {  	[sflag:s28] =	ssyncset.done $0x0  }
0x242: {  	[sflag:s28] =	ssyncadd.s32 $0xFFFFC000  }
0x243: {  	[tilespmem:s31], [sflag:$0x2] =	stream.indirect.gather [hbm4b:s5+s30], $0x80, s9, s30, $0xb8;
	[tilespmem:$0x1DC00] =	vst v63  }
0x244: {  	_ =	swait.ge [sflag:s0], $0x4000  }
0x245: {  	[sflag:s0] =	ssyncset.done $0x0  }
0x246: {  	[sflag:s0] =	ssyncadd.s32 $0xFFFFC000  }
0x247: {  	[spmem:s3] =	stream.indirect.scatter.add.f32 [tilespmem:s26], [sflag:$0x3], $0x80, s10, s30, $0xb8;
	[tilespmem:$0x1DC00] =	vst v63  }
0x248: {  	_ =	swait.ge [sflag:s28], $0x4000  }
0x249: {  	[sflag:s28] =	ssyncset.done $0x0  }
0x24a: {  	[sflag:s28] =	ssyncadd.s32 $0xFFFFC000  }
0x24b: {  	[tilespmem:s26], [sflag:$0x1] =	stream.indirect.gather [hbm4b:s5+s30], $0x80, s11, s30, $0xb8;
	[tilespmem:$0x1DC00] =	vst v63  }
0x24c: {  	_ =	swait.ge [sflag:s1], $0x4000  }
0x24d: {  	[sflag:s1] =	ssyncset.done $0x0  }
0x24e: {  	[sflag:s1] =	ssyncadd.s32 $0xFFFFC000  }
0x24f: {  	[spmem:s3] =	stream.indirect.scatter.add.f32 [tilespmem:s31], [sflag:$0x3], $0x80, s12, s30, $0xb8;
	[tilespmem:$0x1DC00] =	vst v63  }
0x250: {  	_ =	swait.ge [sflag:s28], $0x4000  }
0x251: {  	[sflag:s28] =	ssyncset.done $0x0  }
0x252: {  	[sflag:s28] =	ssyncadd.s32 $0xFFFFC000  }
0x253: {  	[tilespmem:s31], [sflag:$0x2] =	stream.indirect.gather [hbm4b:s5+s30], $0x80, s13, s30, $0xb8;
	[tilespmem:$0x1DC00] =	vst v63  }
0x254: {  	_ =	swait.ge [sflag:s0], $0x4000  }
0x255: {  	[sflag:s0] =	ssyncset.done $0x0  }
0x256: {  	[sflag:s0] =	ssyncadd.s32 $0xFFFFC000  }
0x257: {  	[spmem:s3] =	stream.indirect.scatter.add.f32 [tilespmem:s26], [sflag:$0x3], $0x80, s14, s30, $0xb8;
	[tilespmem:$0x1DC00] =	vst v63  }
0x258: {  	_ =	swait.ge [sflag:s28], $0x4000  }
0x259: {  	[sflag:s28] =	ssyncset.done $0x0  }
0x25a: {  	[sflag:s28] =	ssyncadd.s32 $0xFFFFC000  }
0x25b: {  	[tilespmem:s26], [sflag:$0x1] =	stream.indirect.gather [hbm4b:s5+s30], $0x80, s15, s30, $0xb8;
	[tilespmem:$0x1DC00] =	vst v63  }
0x25c: {  	_ =	swait.ge [sflag:s1], $0x4000  }
0x25d: {  	[sflag:s1] =	ssyncset.done $0x0  }
0x25e: {  	[sflag:s1] =	ssyncadd.s32 $0xFFFFC000  }
0x25f: {  	[spmem:s3] =	stream.indirect.scatter.add.f32 [tilespmem:s31], [sflag:$0x3], $0x80, s16, s30, $0xb8;
	[tilespmem:$0x1DC00] =	vst v63  }
0x260: {  	_ =	swait.ge [sflag:s28], $0x4000  }
0x261: {  	[sflag:s28] =	ssyncset.done $0x0  }
0x262: {  	[sflag:s28] =	ssyncadd.s32 $0xFFFFC000  }
0x263: {  	[tilespmem:s31], [sflag:$0x2] =	stream.indirect.gather [hbm4b:s5+s30], $0x80, s17, s30, $0xb8;
	[tilespmem:$0x1DC00] =	vst v63  }
0x264: {  	_ =	swait.ge [sflag:s0], $0x4000  }
0x265: {  	[sflag:s0] =	ssyncset.done $0x0  }
0x266: {  	s10 =	simm.s32 $0xC00;
	[sflag:s0] =	ssyncadd.s32 $0xFFFFC000  }
0x267: {  	[spmem:s3] =	stream.indirect.scatter.add.f32 [tilespmem:s26], [sflag:$0x3], $0x80, s10, s30, $0xb8;
	[tilespmem:$0x1DC00] =	vst v63  }
0x268: {  	_ =	swait.ge [sflag:s28], $0x4000  }
0x269: {  	[sflag:s28] =	ssyncset.done $0x0  }
0x26a: {  	s11 =	simm.s32 $0x500;
	[sflag:s28] =	ssyncadd.s32 $0xFFFFC000  }
0x26b: {  	[tilespmem:s26], [sflag:$0x1] =	stream.indirect.gather [hbm4b:s5+s30], $0x80, s11, s30, $0xb8;
	[tilespmem:$0x1DC00] =	vst v63  }
0x26c: {  	_ =	swait.ge [sflag:s1], $0x4000  }
0x26d: {  	[sflag:s1] =	ssyncset.done $0x0  }
0x26e: {  	s12 =	simm.s32 $0xC80;
	[sflag:s1] =	ssyncadd.s32 $0xFFFFC000  }
0x26f: {  	[spmem:s3] =	stream.indirect.scatter.add.f32 [tilespmem:s31], [sflag:$0x3], $0x80, s12, s30, $0xb8;
	[tilespmem:$0x1DC00] =	vst v63  }
0x270: {  	_ =	swait.ge [sflag:s28], $0x4000  }
0x271: {  	[sflag:s28] =	ssyncset.done $0x0  }
0x272: {  	s13 =	simm.s32 $0x580;
	[sflag:s28] =	ssyncadd.s32 $0xFFFFC000  }
0x273: {  	[tilespmem:s31], [sflag:$0x2] =	stream.indirect.gather [hbm4b:s5+s30], $0x80, s13, s30, $0xb8;
	[tilespmem:$0x1DC00] =	vst v63  }
0x274: {  	_ =	swait.ge [sflag:s0], $0x4000  }
0x275: {  	[sflag:s0] =	ssyncset.done $0x0  }
0x276: {  	s14 =	simm.s32 $0xD00;
	[sflag:s0] =	ssyncadd.s32 $0xFFFFC000  }
0x277: {  	[spmem:s3] =	stream.indirect.scatter.add.f32 [tilespmem:s26], [sflag:$0x3], $0x80, s14, s30, $0xb8;
	[tilespmem:$0x1DC00] =	vst v63  }
0x278: {  	_ =	swait.ge [sflag:s28], $0x4000  }
0x279: {  	[sflag:s28] =	ssyncset.done $0x0  }
0x27a: {  	s15 =	simm.s32 $0x600;
	[sflag:s28] =	ssyncadd.s32 $0xFFFFC000  }
0x27b: {  	[tilespmem:s26], [sflag:$0x1] =	stream.indirect.gather [hbm4b:s5+s30], $0x80, s15, s30, $0xb8;
	[tilespmem:$0x1DC00] =	vst v63  }
0x27c: {  	_ =	swait.ge [sflag:s1], $0x4000  }
0x27d: {  	[sflag:s1] =	ssyncset.done $0x0  }
0x27e: {  	s16 =	simm.s32 $0xD80;
	[sflag:s1] =	ssyncadd.s32 $0xFFFFC000  }
0x27f: {  	[spmem:s3] =	stream.indirect.scatter.add.f32 [tilespmem:s31], [sflag:$0x3], $0x80, s16, s30, $0xb8;
	[tilespmem:$0x1DC00] =	vst v63  }
0x280: {  	_ =	swait.ge [sflag:s28], $0x4000  }
0x281: {  	[sflag:s28] =	ssyncset.done $0x0  }
0x282: {  	s17 =	simm.s32 $0x680;
	[sflag:s28] =	ssyncadd.s32 $0xFFFFC000  }
0x283: {  	[tilespmem:s31], [sflag:$0x2] =	stream.indirect.gather [hbm4b:s5+s30], $0x80, s17, s30, $0xb8;
	[tilespmem:$0x1DC00] =	vst v63  }
0x284: {  	_ =	swait.ge [sflag:s0], $0x4000  }
0x285: {  	[sflag:s0] =	ssyncset.done $0x0  }
0x286: {  	s18 =	simm.s32 $0xE00;
	[sflag:s0] =	ssyncadd.s32 $0xFFFFC000  }
0x287: {  	[spmem:s3] =	stream.indirect.scatter.add.f32 [tilespmem:s26], [sflag:$0x3], $0x80, s18, s30, $0xb8;
	[tilespmem:$0x1DC00] =	vst v63  }
0x288: {  	_ =	swait.ge [sflag:s28], $0x4000  }
0x289: {  	[sflag:s28] =	ssyncset.done $0x0  }
0x28a: {  	s19 =	simm.s32 $0x700;
	[sflag:s28] =	ssyncadd.s32 $0xFFFFC000  }
0x28b: {  	[tilespmem:s26], [sflag:$0x1] =	stream.indirect.gather [hbm4b:s5+s30], $0x80, s19, s30, $0xb8;
	[tilespmem:$0x1DC00] =	vst v63  }
0x28c: {  	_ =	swait.ge [sflag:s1], $0x4000  }
0x28d: {  	[sflag:s1] =	ssyncset.done $0x0  }
0x28e: {  	s20 =	simm.s32 $0xE80;
	[sflag:s1] =	ssyncadd.s32 $0xFFFFC000  }
0x28f: {  	[spmem:s3] =	stream.indirect.scatter.add.f32 [tilespmem:s31], [sflag:$0x3], $0x80, s20, s30, $0xb8;
	[tilespmem:$0x1DC00] =	vst v63  }
0x290: {  	_ =	swait.ge [sflag:s28], $0x4000  }
0x291: {  	[sflag:s28] =	ssyncset.done $0x0  }
0x292: {  	s21 =	simm.s32 $0x780;
	[sflag:s28] =	ssyncadd.s32 $0xFFFFC000  }
0x293: {  	[tilespmem:s31], [sflag:$0x2] =	stream.indirect.gather [hbm4b:s5+s30], $0x80, s21, s30, $0xb8;
	[tilespmem:$0x1DC00] =	vst v63  }
0x294: {  	_ =	swait.ge [sflag:s0], $0x4000  }
0x295: {  	[sflag:s0] =	ssyncset.done $0x0  }
0x296: {  	s22 =	simm.s32 $0xF00;
	[sflag:s0] =	ssyncadd.s32 $0xFFFFC000  }
0x297: {  	[spmem:s3] =	stream.indirect.scatter.add.f32 [tilespmem:s26], [sflag:$0x3], $0x80, s22, s30, $0xb8;
	[tilespmem:$0x1DC00] =	vst v63  }
0x298: {  	_ =	swait.ge [sflag:s28], $0x4000  }
0x299: {  	[sflag:s28] =	ssyncset.done $0x0  }
0x29a: {  	[sflag:s28] =	ssyncadd.s32 $0xFFFFC000  }
0x29b: {  	_ =	swait.ge [sflag:s1], $0x4000  }
0x29c: {  	[sflag:s1] =	ssyncset.done $0x0  }
.Ltmp4:
0x29d: {  	s23 =	simm.s32 $0xF80;
	[sflag:s1] =	ssyncadd.s32 $0xFFFFC000;
	(pc) =	sbr.rel .LBB2_8-.Ltmp4, $4  }
0x29e: {  	[spmem:s3] =	stream.indirect.scatter.add.f32 [tilespmem:s31], [sflag:$0x3], $0x80, s23, s30, $0xb8;
	[tilespmem:$0x1DC00] =	vst v63  }
0x29f: {  	_ =	swait.ge [sflag:s28], $0x4000  }
0x2a0: {  	[sflag:s28] =	ssyncset.done $0x0  }
0x2a1: {  	s17 =	rddreg [dreg:$0x16];
	[sflag:s28] =	ssyncadd.s32 $0xFFFFC000  }
.LBB2_5:
0x2a2: {  	[tilespmem:s4], [sflag:$0x3] =	stream.linear.gather [hbm4b:s18+s4], $0x800, $0x38;
	[tilespmem:$0x1DC00] =	vst v63  }
0x2a3: {  	_ =	swait.ge [sflag:s28], $0x800  }
0x2a4: {  	[sflag:s28] =	ssyncset.done $0x0  }
0x2a5: {  	s20 =	sadd.s32 $0x0, s24;
	[sflag:s28] =	ssyncadd.s32 $0xFFFFF800  }
0x2a6: {  	[tilespmem:s29], [sflag:$0x3] =	stream.linear.gather [hbm4b:s20+s4], $0x800, $0x38;
	[tilespmem:$0x1DC00] =	vst v63  }
0x2a7: {  	_ =	swait.ge [sflag:s28], $0x800  }
0x2a8: {  	[sflag:s28] =	ssyncset.done $0x0  }
0x2a9: {  	[sflag:s28] =	ssyncadd.s32 $0xFFFFF800  }
0x2aa: {  	[tilespmem:s26], [sflag:$0x1] =	stream.indirect.gather [hbm4b:s6+s30], $0x80, s4, s30, $0xb8;
	[tilespmem:$0x1DC00] =	vst v63  }
0x2ab: {  	_ = 	snop  }
0x2ac: {  	[tilespmem:s31], [sflag:$0x2] =	stream.indirect.gather [hbm4b:s6+s30], $0x80, s30, s30, $0xb8;
	[tilespmem:$0x1DC00] =	vst v63  }
0x2ad: {  	_ =	swait.ge [sflag:s0], $0x4000  }
0x2ae: {  	[sflag:s0] =	ssyncset.done $0x0  }
0x2af: {  	[sflag:s0] =	ssyncadd.s32 $0xFFFFC000  }
0x2b0: {  	[spmem:s3] =	stream.indirect.scatter.add.f32 [tilespmem:s26], [sflag:$0x3], $0x80, s29, s30, $0xb8;
	[tilespmem:$0x1DC00] =	vst v63  }
0x2b1: {  	_ =	swait.ge [sflag:s28], $0x4000  }
0x2b2: {  	[sflag:s28] =	ssyncset.done $0x0  }
0x2b3: {  	[sflag:s28] =	ssyncadd.s32 $0xFFFFC000  }
0x2b4: {  	[tilespmem:s26], [sflag:$0x1] =	stream.indirect.gather [hbm4b:s6+s30], $0x80, s21, s30, $0xb8;
	[tilespmem:$0x1DC00] =	vst v63  }
0x2b5: {  	_ =	swait.ge [sflag:s1], $0x4000  }
0x2b6: {  	[sflag:s1] =	ssyncset.done $0x0  }
0x2b7: {  	[sflag:s1] =	ssyncadd.s32 $0xFFFFC000  }
0x2b8: {  	[spmem:s3] =	stream.indirect.scatter.add.f32 [tilespmem:s31], [sflag:$0x3], $0x80, s22, s30, $0xb8;
	[tilespmem:$0x1DC00] =	vst v63  }
0x2b9: {  	_ =	swait.ge [sflag:s28], $0x4000  }
0x2ba: {  	[sflag:s28] =	ssyncset.done $0x0  }
0x2bb: {  	[sflag:s28] =	ssyncadd.s32 $0xFFFFC000  }
0x2bc: {  	[tilespmem:s31], [sflag:$0x2] =	stream.indirect.gather [hbm4b:s6+s30], $0x80, s19, s30, $0xb8;
	[tilespmem:$0x1DC00] =	vst v63  }
0x2bd: {  	_ =	swait.ge [sflag:s0], $0x4000  }
0x2be: {  	[sflag:s0] =	ssyncset.done $0x0  }
0x2bf: {  	[sflag:s0] =	ssyncadd.s32 $0xFFFFC000  }
0x2c0: {  	[spmem:s3] =	stream.indirect.scatter.add.f32 [tilespmem:s26], [sflag:$0x3], $0x80, s7, s30, $0xb8;
	[tilespmem:$0x1DC00] =	vst v63  }
0x2c1: {  	_ =	swait.ge [sflag:s28], $0x4000  }
0x2c2: {  	[sflag:s28] =	ssyncset.done $0x0  }
0x2c3: {  	[sflag:s28] =	ssyncadd.s32 $0xFFFFC000  }
0x2c4: {  	[tilespmem:s26], [sflag:$0x1] =	stream.indirect.gather [hbm4b:s6+s30], $0x80, s2, s30, $0xb8;
	[tilespmem:$0x1DC00] =	vst v63  }
0x2c5: {  	_ =	swait.ge [sflag:s1], $0x4000  }
0x2c6: {  	[sflag:s1] =	ssyncset.done $0x0  }
0x2c7: {  	[sflag:s1] =	ssyncadd.s32 $0xFFFFC000  }
0x2c8: {  	[spmem:s3] =	stream.indirect.scatter.add.f32 [tilespmem:s31], [sflag:$0x3], $0x80, s8, s30, $0xb8;
	[tilespmem:$0x1DC00] =	vst v63  }
0x2c9: {  	_ =	swait.ge [sflag:s28], $0x4000  }
0x2ca: {  	[sflag:s28] =	ssyncset.done $0x0  }
0x2cb: {  	[sflag:s28] =	ssyncadd.s32 $0xFFFFC000  }
0x2cc: {  	[tilespmem:s31], [sflag:$0x2] =	stream.indirect.gather [hbm4b:s6+s30], $0x80, s9, s30, $0xb8;
	[tilespmem:$0x1DC00] =	vst v63  }
0x2cd: {  	_ =	swait.ge [sflag:s0], $0x4000  }
0x2ce: {  	[sflag:s0] =	ssyncset.done $0x0  }
0x2cf: {  	[sflag:s0] =	ssyncadd.s32 $0xFFFFC000  }
0x2d0: {  	[spmem:s3] =	stream.indirect.scatter.add.f32 [tilespmem:s26], [sflag:$0x3], $0x80, s10, s30, $0xb8;
	[tilespmem:$0x1DC00] =	vst v63  }
0x2d1: {  	_ =	swait.ge [sflag:s28], $0x4000  }
0x2d2: {  	[sflag:s28] =	ssyncset.done $0x0  }
0x2d3: {  	[sflag:s28] =	ssyncadd.s32 $0xFFFFC000  }
0x2d4: {  	[tilespmem:s26], [sflag:$0x1] =	stream.indirect.gather [hbm4b:s6+s30], $0x80, s11, s30, $0xb8;
	[tilespmem:$0x1DC00] =	vst v63  }
0x2d5: {  	_ =	swait.ge [sflag:s1], $0x4000  }
0x2d6: {  	[sflag:s1] =	ssyncset.done $0x0  }
0x2d7: {  	[sflag:s1] =	ssyncadd.s32 $0xFFFFC000  }
0x2d8: {  	[spmem:s3] =	stream.indirect.scatter.add.f32 [tilespmem:s31], [sflag:$0x3], $0x80, s12, s30, $0xb8;
	[tilespmem:$0x1DC00] =	vst v63  }
0x2d9: {  	_ =	swait.ge [sflag:s28], $0x4000  }
0x2da: {  	[sflag:s28] =	ssyncset.done $0x0  }
0x2db: {  	[sflag:s28] =	ssyncadd.s32 $0xFFFFC000  }
0x2dc: {  	[tilespmem:s31], [sflag:$0x2] =	stream.indirect.gather [hbm4b:s6+s30], $0x80, s13, s30, $0xb8;
	[tilespmem:$0x1DC00] =	vst v63  }
0x2dd: {  	_ =	swait.ge [sflag:s0], $0x4000  }
0x2de: {  	[sflag:s0] =	ssyncset.done $0x0  }
0x2df: {  	[sflag:s0] =	ssyncadd.s32 $0xFFFFC000  }
0x2e0: {  	[spmem:s3] =	stream.indirect.scatter.add.f32 [tilespmem:s26], [sflag:$0x3], $0x80, s14, s30, $0xb8;
	[tilespmem:$0x1DC00] =	vst v63  }
0x2e1: {  	_ =	swait.ge [sflag:s28], $0x4000  }
0x2e2: {  	[sflag:s28] =	ssyncset.done $0x0  }
0x2e3: {  	[sflag:s28] =	ssyncadd.s32 $0xFFFFC000  }
0x2e4: {  	[tilespmem:s26], [sflag:$0x1] =	stream.indirect.gather [hbm4b:s6+s30], $0x80, s15, s30, $0xb8;
	[tilespmem:$0x1DC00] =	vst v63  }
0x2e5: {  	_ =	swait.ge [sflag:s1], $0x4000  }
0x2e6: {  	[sflag:s1] =	ssyncset.done $0x0  }
0x2e7: {  	[sflag:s1] =	ssyncadd.s32 $0xFFFFC000  }
0x2e8: {  	[spmem:s3] =	stream.indirect.scatter.add.f32 [tilespmem:s31], [sflag:$0x3], $0x80, s23, s30, $0xb8;
	[tilespmem:$0x1DC00] =	vst v63  }
0x2e9: {  	_ =	swait.ge [sflag:s28], $0x4000  }
0x2ea: {  	[sflag:s28] =	ssyncset.done $0x0  }
0x2eb: {  	s9 =	simm.s32 $0x480;
	[sflag:s28] =	ssyncadd.s32 $0xFFFFC000  }
0x2ec: {  	[tilespmem:s31], [sflag:$0x2] =	stream.indirect.gather [hbm4b:s6+s30], $0x80, s9, s30, $0xb8;
	[tilespmem:$0x1DC00] =	vst v63  }
0x2ed: {  	_ =	swait.ge [sflag:s0], $0x4000  }
0x2ee: {  	[sflag:s0] =	ssyncset.done $0x0  }
0x2ef: {  	s10 =	simm.s32 $0xC00;
	[sflag:s0] =	ssyncadd.s32 $0xFFFFC000  }
0x2f0: {  	[spmem:s3] =	stream.indirect.scatter.add.f32 [tilespmem:s26], [sflag:$0x3], $0x80, s10, s30, $0xb8;
	[tilespmem:$0x1DC00] =	vst v63  }
0x2f1: {  	_ =	swait.ge [sflag:s28], $0x4000  }
0x2f2: {  	[sflag:s28] =	ssyncset.done $0x0  }
0x2f3: {  	s11 =	simm.s32 $0x500;
	[sflag:s28] =	ssyncadd.s32 $0xFFFFC000  }
0x2f4: {  	[tilespmem:s26], [sflag:$0x1] =	stream.indirect.gather [hbm4b:s6+s30], $0x80, s11, s30, $0xb8;
	[tilespmem:$0x1DC00] =	vst v63  }
0x2f5: {  	_ =	swait.ge [sflag:s1], $0x4000  }
0x2f6: {  	[sflag:s1] =	ssyncset.done $0x0  }
0x2f7: {  	s12 =	simm.s32 $0xC80;
	[sflag:s1] =	ssyncadd.s32 $0xFFFFC000  }
0x2f8: {  	[spmem:s3] =	stream.indirect.scatter.add.f32 [tilespmem:s31], [sflag:$0x3], $0x80, s12, s30, $0xb8;
	[tilespmem:$0x1DC00] =	vst v63  }
0x2f9: {  	_ =	swait.ge [sflag:s28], $0x4000  }
0x2fa: {  	[sflag:s28] =	ssyncset.done $0x0  }
0x2fb: {  	s13 =	simm.s32 $0x580;
	[sflag:s28] =	ssyncadd.s32 $0xFFFFC000  }
0x2fc: {  	[tilespmem:s31], [sflag:$0x2] =	stream.indirect.gather [hbm4b:s6+s30], $0x80, s13, s30, $0xb8;
	[tilespmem:$0x1DC00] =	vst v63  }
0x2fd: {  	_ =	swait.ge [sflag:s0], $0x4000  }
0x2fe: {  	[sflag:s0] =	ssyncset.done $0x0  }
0x2ff: {  	s14 =	simm.s32 $0xD00;
	[sflag:s0] =	ssyncadd.s32 $0xFFFFC000  }
0x300: {  	[spmem:s3] =	stream.indirect.scatter.add.f32 [tilespmem:s26], [sflag:$0x3], $0x80, s14, s30, $0xb8;
	[tilespmem:$0x1DC00] =	vst v63  }
0x301: {  	_ =	swait.ge [sflag:s28], $0x4000  }
0x302: {  	[sflag:s28] =	ssyncset.done $0x0  }
0x303: {  	s15 =	simm.s32 $0x600;
	[sflag:s28] =	ssyncadd.s32 $0xFFFFC000  }
0x304: {  	[tilespmem:s26], [sflag:$0x1] =	stream.indirect.gather [hbm4b:s6+s30], $0x80, s15, s30, $0xb8;
	[tilespmem:$0x1DC00] =	vst v63  }
0x305: {  	_ =	swait.ge [sflag:s1], $0x4000  }
0x306: {  	[sflag:s1] =	ssyncset.done $0x0  }
0x307: {  	s16 =	simm.s32 $0xD80;
	[sflag:s1] =	ssyncadd.s32 $0xFFFFC000  }
0x308: {  	[spmem:s3] =	stream.indirect.scatter.add.f32 [tilespmem:s31], [sflag:$0x3], $0x80, s16, s30, $0xb8;
	[tilespmem:$0x1DC00] =	vst v63  }
0x309: {  	_ =	swait.ge [sflag:s28], $0x4000  }
0x30a: {  	[sflag:s28] =	ssyncset.done $0x0  }
0x30b: {  	s17 =	simm.s32 $0x680;
	[sflag:s28] =	ssyncadd.s32 $0xFFFFC000  }
0x30c: {  	[tilespmem:s31], [sflag:$0x2] =	stream.indirect.gather [hbm4b:s6+s30], $0x80, s17, s30, $0xb8;
	[tilespmem:$0x1DC00] =	vst v63  }
0x30d: {  	_ =	swait.ge [sflag:s0], $0x4000  }
0x30e: {  	[sflag:s0] =	ssyncset.done $0x0  }
0x30f: {  	s18 =	simm.s32 $0xE00;
	[sflag:s0] =	ssyncadd.s32 $0xFFFFC000  }
0x310: {  	[spmem:s3] =	stream.indirect.scatter.add.f32 [tilespmem:s26], [sflag:$0x3], $0x80, s18, s30, $0xb8;
	[tilespmem:$0x1DC00] =	vst v63  }
0x311: {  	_ =	swait.ge [sflag:s28], $0x4000  }
0x312: {  	[sflag:s28] =	ssyncset.done $0x0  }
0x313: {  	s19 =	simm.s32 $0x700;
	[sflag:s28] =	ssyncadd.s32 $0xFFFFC000  }
0x314: {  	[tilespmem:s26], [sflag:$0x1] =	stream.indirect.gather [hbm4b:s6+s30], $0x80, s19, s30, $0xb8;
	[tilespmem:$0x1DC00] =	vst v63  }
0x315: {  	_ =	swait.ge [sflag:s1], $0x4000  }
0x316: {  	[sflag:s1] =	ssyncset.done $0x0  }
0x317: {  	s20 =	simm.s32 $0xE80;
	[sflag:s1] =	ssyncadd.s32 $0xFFFFC000  }
0x318: {  	[spmem:s3] =	stream.indirect.scatter.add.f32 [tilespmem:s31], [sflag:$0x3], $0x80, s20, s30, $0xb8;
	[tilespmem:$0x1DC00] =	vst v63  }
0x319: {  	_ =	swait.ge [sflag:s28], $0x4000  }
0x31a: {  	[sflag:s28] =	ssyncset.done $0x0  }
0x31b: {  	s21 =	simm.s32 $0x780;
	[sflag:s28] =	ssyncadd.s32 $0xFFFFC000  }
0x31c: {  	[tilespmem:s31], [sflag:$0x2] =	stream.indirect.gather [hbm4b:s6+s30], $0x80, s21, s30, $0xb8;
	[tilespmem:$0x1DC00] =	vst v63  }
0x31d: {  	_ =	swait.ge [sflag:s0], $0x4000  }
0x31e: {  	[sflag:s0] =	ssyncset.done $0x0  }
0x31f: {  	s22 =	simm.s32 $0xF00;
	[sflag:s0] =	ssyncadd.s32 $0xFFFFC000  }
0x320: {  	[spmem:s3] =	stream.indirect.scatter.add.f32 [tilespmem:s26], [sflag:$0x3], $0x80, s22, s30, $0xb8;
	[tilespmem:$0x1DC00] =	vst v63  }
0x321: {  	s7 =	simm.s32 $0x900;
	s2 =	simm.s32 $0x200;
	_ =	swait.ge [sflag:s28], $0x4000  }
0x322: {  	s8 =	simm.s32 $0x980;
	s23 =	simm.s32 $0xF80;
	[sflag:s28] =	ssyncset.done $0x0  }
0x323: {  	s9 =	simm.s32 $0x280;
	s10 =	simm.s32 $0xA00;
	[sflag:s28] =	ssyncadd.s32 $0xFFFFC000  }
0x324: {  	s11 =	simm.s32 $0x300;
	s12 =	simm.s32 $0xA80;
	_ =	swait.ge [sflag:s1], $0x4000  }
0x325: {  	s13 =	simm.s32 $0x380;
	s14 =	simm.s32 $0xB00;
	[sflag:s1] =	ssyncset.done $0x0  }
0x326: {  	s15 =	simm.s32 $0x400;
	s16 =	simm.s32 $0xB80;
	[sflag:s1] =	ssyncadd.s32 $0xFFFFC000  }
0x327: {  	[spmem:s3] =	stream.indirect.scatter.add.f32 [tilespmem:s31], [sflag:$0x3], $0x80, s23, s30, $0xb8;
	[tilespmem:$0x1DC00] =	vst v63  }
0x328: {  	s17 =	simm.s32 $0x480;
	s18 =	simm.s32 $0x100;
	_ =	swait.ge [sflag:s28], $0x4000  }
0x329: {  	s19 =	simm.s32 $0x180;
	s21 =	simm.s32 $0x200;
	[sflag:s28] =	ssyncset.done $0x0  }
.LBB2_6:
0x32a: {  	s22 =	sadd.s32 s18, s25  }
0x32b: {  	[sflag:s28] =	ssyncadd.s32 $0xFFFFC000;
	s23 =	smov.u32 s21;
	s20 =	sadd.s32 $0x100, s21  }
0x32c: {  	[tilespmem:s4], [sflag:$0x3] =	stream.linear.gather [hbm4b:s22+s4], $0x800, $0x38;
	[tilespmem:$0x1DC00] =	vst v63  }
0x32d: {  	s22 =	simm.s32 $0x100  }
0x32e: {  	p3 =	sne.s32 s21, $0x400;
	_ =	swait.ge [sflag:s28], $0x800  }
0x32f: {  	s21 =	sadd.s32 s18, s24;
	[sflag:s28] =	ssyncset.done $0x0  }
0x330: {  	s18 =	smov.u32 s23;
	s23 =	simm.s32 $0x880;
	[sflag:s28] =	ssyncadd.s32 $0xFFFFF800  }
0x331: {  	[tilespmem:s29], [sflag:$0x3] =	stream.linear.gather [hbm4b:s21+s4], $0x800, $0x38;
	[tilespmem:$0x1DC00] =	vst v63  }
0x332: {  	_ =	swait.ge [sflag:s28], $0x800  }
0x333: {  	[sflag:s28] =	ssyncset.done $0x0  }
0x334: {  	[sflag:s28] =	ssyncadd.s32 $0xFFFFF800  }
0x335: {  	[tilespmem:s26], [sflag:$0x1] =	stream.indirect.gather [hbm4b:s6+s30], $0x80, s4, s30, $0xb8;
	[tilespmem:$0x1DC00] =	vst v63  }
0x336: {  	_ = 	snop  }
0x337: {  	[tilespmem:s31], [sflag:$0x2] =	stream.indirect.gather [hbm4b:s6+s30], $0x80, s30, s30, $0xb8;
	[tilespmem:$0x1DC00] =	vst v63  }
0x338: {  	_ =	swait.ge [sflag:s0], $0x4000  }
0x339: {  	[sflag:s0] =	ssyncset.done $0x0  }
0x33a: {  	[sflag:s0] =	ssyncadd.s32 $0xFFFFC000  }
0x33b: {  	[spmem:s3] =	stream.indirect.scatter.add.f32 [tilespmem:s26], [sflag:$0x3], $0x80, s29, s30, $0xb8;
	[tilespmem:$0x1DC00] =	vst v63  }
0x33c: {  	_ =	swait.ge [sflag:s28], $0x4000  }
0x33d: {  	[sflag:s28] =	ssyncset.done $0x0  }
0x33e: {  	[sflag:s28] =	ssyncadd.s32 $0xFFFFC000  }
0x33f: {  	[tilespmem:s26], [sflag:$0x1] =	stream.indirect.gather [hbm4b:s6+s30], $0x80, s22, s30, $0xb8;
	[tilespmem:$0x1DC00] =	vst v63  }
0x340: {  	_ =	swait.ge [sflag:s1], $0x4000  }
0x341: {  	[sflag:s1] =	ssyncset.done $0x0  }
0x342: {  	[sflag:s1] =	ssyncadd.s32 $0xFFFFC000  }
0x343: {  	[spmem:s3] =	stream.indirect.scatter.add.f32 [tilespmem:s31], [sflag:$0x3], $0x80, s23, s30, $0xb8;
	[tilespmem:$0x1DC00] =	vst v63  }
0x344: {  	_ =	swait.ge [sflag:s28], $0x4000  }
0x345: {  	[sflag:s28] =	ssyncset.done $0x0  }
0x346: {  	[sflag:s28] =	ssyncadd.s32 $0xFFFFC000  }
0x347: {  	[tilespmem:s31], [sflag:$0x2] =	stream.indirect.gather [hbm4b:s6+s30], $0x80, s19, s30, $0xb8;
	[tilespmem:$0x1DC00] =	vst v63  }
0x348: {  	_ =	swait.ge [sflag:s0], $0x4000  }
0x349: {  	[sflag:s0] =	ssyncset.done $0x0  }
0x34a: {  	[sflag:s0] =	ssyncadd.s32 $0xFFFFC000  }
0x34b: {  	[spmem:s3] =	stream.indirect.scatter.add.f32 [tilespmem:s26], [sflag:$0x3], $0x80, s7, s30, $0xb8;
	[tilespmem:$0x1DC00] =	vst v63  }
0x34c: {  	_ =	swait.ge [sflag:s28], $0x4000  }
0x34d: {  	[sflag:s28] =	ssyncset.done $0x0  }
0x34e: {  	[sflag:s28] =	ssyncadd.s32 $0xFFFFC000  }
0x34f: {  	[tilespmem:s26], [sflag:$0x1] =	stream.indirect.gather [hbm4b:s6+s30], $0x80, s2, s30, $0xb8;
	[tilespmem:$0x1DC00] =	vst v63  }
0x350: {  	_ =	swait.ge [sflag:s1], $0x4000  }
0x351: {  	[sflag:s1] =	ssyncset.done $0x0  }
0x352: {  	[sflag:s1] =	ssyncadd.s32 $0xFFFFC000  }
0x353: {  	[spmem:s3] =	stream.indirect.scatter.add.f32 [tilespmem:s31], [sflag:$0x3], $0x80, s8, s30, $0xb8;
	[tilespmem:$0x1DC00] =	vst v63  }
0x354: {  	_ =	swait.ge [sflag:s28], $0x4000  }
0x355: {  	[sflag:s28] =	ssyncset.done $0x0  }
0x356: {  	[sflag:s28] =	ssyncadd.s32 $0xFFFFC000  }
0x357: {  	[tilespmem:s31], [sflag:$0x2] =	stream.indirect.gather [hbm4b:s6+s30], $0x80, s9, s30, $0xb8;
	[tilespmem:$0x1DC00] =	vst v63  }
0x358: {  	_ =	swait.ge [sflag:s0], $0x4000  }
0x359: {  	[sflag:s0] =	ssyncset.done $0x0  }
0x35a: {  	[sflag:s0] =	ssyncadd.s32 $0xFFFFC000  }
0x35b: {  	[spmem:s3] =	stream.indirect.scatter.add.f32 [tilespmem:s26], [sflag:$0x3], $0x80, s10, s30, $0xb8;
	[tilespmem:$0x1DC00] =	vst v63  }
0x35c: {  	_ =	swait.ge [sflag:s28], $0x4000  }
0x35d: {  	[sflag:s28] =	ssyncset.done $0x0  }
0x35e: {  	[sflag:s28] =	ssyncadd.s32 $0xFFFFC000  }
0x35f: {  	[tilespmem:s26], [sflag:$0x1] =	stream.indirect.gather [hbm4b:s6+s30], $0x80, s11, s30, $0xb8;
	[tilespmem:$0x1DC00] =	vst v63  }
0x360: {  	_ =	swait.ge [sflag:s1], $0x4000  }
0x361: {  	[sflag:s1] =	ssyncset.done $0x0  }
0x362: {  	[sflag:s1] =	ssyncadd.s32 $0xFFFFC000  }
0x363: {  	[spmem:s3] =	stream.indirect.scatter.add.f32 [tilespmem:s31], [sflag:$0x3], $0x80, s12, s30, $0xb8;
	[tilespmem:$0x1DC00] =	vst v63  }
0x364: {  	_ =	swait.ge [sflag:s28], $0x4000  }
0x365: {  	[sflag:s28] =	ssyncset.done $0x0  }
0x366: {  	[sflag:s28] =	ssyncadd.s32 $0xFFFFC000  }
0x367: {  	[tilespmem:s31], [sflag:$0x2] =	stream.indirect.gather [hbm4b:s6+s30], $0x80, s13, s30, $0xb8;
	[tilespmem:$0x1DC00] =	vst v63  }
0x368: {  	_ =	swait.ge [sflag:s0], $0x4000  }
0x369: {  	[sflag:s0] =	ssyncset.done $0x0  }
0x36a: {  	[sflag:s0] =	ssyncadd.s32 $0xFFFFC000  }
0x36b: {  	[spmem:s3] =	stream.indirect.scatter.add.f32 [tilespmem:s26], [sflag:$0x3], $0x80, s14, s30, $0xb8;
	[tilespmem:$0x1DC00] =	vst v63  }
0x36c: {  	_ =	swait.ge [sflag:s28], $0x4000  }
0x36d: {  	[sflag:s28] =	ssyncset.done $0x0  }
0x36e: {  	[sflag:s28] =	ssyncadd.s32 $0xFFFFC000  }
0x36f: {  	[tilespmem:s26], [sflag:$0x1] =	stream.indirect.gather [hbm4b:s6+s30], $0x80, s15, s30, $0xb8;
	[tilespmem:$0x1DC00] =	vst v63  }
0x370: {  	_ =	swait.ge [sflag:s1], $0x4000  }
0x371: {  	[sflag:s1] =	ssyncset.done $0x0  }
0x372: {  	[sflag:s1] =	ssyncadd.s32 $0xFFFFC000  }
0x373: {  	[spmem:s3] =	stream.indirect.scatter.add.f32 [tilespmem:s31], [sflag:$0x3], $0x80, s16, s30, $0xb8;
	[tilespmem:$0x1DC00] =	vst v63  }
0x374: {  	_ =	swait.ge [sflag:s28], $0x4000  }
0x375: {  	[sflag:s28] =	ssyncset.done $0x0  }
0x376: {  	[sflag:s28] =	ssyncadd.s32 $0xFFFFC000  }
0x377: {  	[tilespmem:s31], [sflag:$0x2] =	stream.indirect.gather [hbm4b:s6+s30], $0x80, s17, s30, $0xb8;
	[tilespmem:$0x1DC00] =	vst v63  }
0x378: {  	_ =	swait.ge [sflag:s0], $0x4000  }
0x379: {  	[sflag:s0] =	ssyncset.done $0x0  }
0x37a: {  	s21 =	simm.s32 $0xC00;
	[sflag:s0] =	ssyncadd.s32 $0xFFFFC000  }
0x37b: {  	[spmem:s3] =	stream.indirect.scatter.add.f32 [tilespmem:s26], [sflag:$0x3], $0x80, s21, s30, $0xb8;
	[tilespmem:$0x1DC00] =	vst v63  }
0x37c: {  	_ =	swait.ge [sflag:s28], $0x4000  }
0x37d: {  	[sflag:s28] =	ssyncset.done $0x0  }
0x37e: {  	s21 =	simm.s32 $0x500;
	[sflag:s28] =	ssyncadd.s32 $0xFFFFC000  }
0x37f: {  	[tilespmem:s26], [sflag:$0x1] =	stream.indirect.gather [hbm4b:s6+s30], $0x80, s21, s30, $0xb8;
	[tilespmem:$0x1DC00] =	vst v63  }
0x380: {  	_ =	swait.ge [sflag:s1], $0x4000  }
0x381: {  	[sflag:s1] =	ssyncset.done $0x0  }
0x382: {  	s21 =	simm.s32 $0xC80;
	[sflag:s1] =	ssyncadd.s32 $0xFFFFC000  }
0x383: {  	[spmem:s3] =	stream.indirect.scatter.add.f32 [tilespmem:s31], [sflag:$0x3], $0x80, s21, s30, $0xb8;
	[tilespmem:$0x1DC00] =	vst v63  }
0x384: {  	_ =	swait.ge [sflag:s28], $0x4000  }
0x385: {  	[sflag:s28] =	ssyncset.done $0x0  }
0x386: {  	s21 =	simm.s32 $0x580;
	[sflag:s28] =	ssyncadd.s32 $0xFFFFC000  }
0x387: {  	[tilespmem:s31], [sflag:$0x2] =	stream.indirect.gather [hbm4b:s6+s30], $0x80, s21, s30, $0xb8;
	[tilespmem:$0x1DC00] =	vst v63  }
0x388: {  	_ =	swait.ge [sflag:s0], $0x4000  }
0x389: {  	[sflag:s0] =	ssyncset.done $0x0  }
0x38a: {  	s21 =	simm.s32 $0xD00;
	[sflag:s0] =	ssyncadd.s32 $0xFFFFC000  }
0x38b: {  	[spmem:s3] =	stream.indirect.scatter.add.f32 [tilespmem:s26], [sflag:$0x3], $0x80, s21, s30, $0xb8;
	[tilespmem:$0x1DC00] =	vst v63  }
0x38c: {  	_ =	swait.ge [sflag:s28], $0x4000  }
0x38d: {  	[sflag:s28] =	ssyncset.done $0x0  }
0x38e: {  	s21 =	simm.s32 $0x600;
	[sflag:s28] =	ssyncadd.s32 $0xFFFFC000  }
0x38f: {  	[tilespmem:s26], [sflag:$0x1] =	stream.indirect.gather [hbm4b:s6+s30], $0x80, s21, s30, $0xb8;
	[tilespmem:$0x1DC00] =	vst v63  }
0x390: {  	_ =	swait.ge [sflag:s1], $0x4000  }
0x391: {  	[sflag:s1] =	ssyncset.done $0x0  }
0x392: {  	s21 =	simm.s32 $0xD80;
	[sflag:s1] =	ssyncadd.s32 $0xFFFFC000  }
0x393: {  	[spmem:s3] =	stream.indirect.scatter.add.f32 [tilespmem:s31], [sflag:$0x3], $0x80, s21, s30, $0xb8;
	[tilespmem:$0x1DC00] =	vst v63  }
0x394: {  	_ =	swait.ge [sflag:s28], $0x4000  }
0x395: {  	[sflag:s28] =	ssyncset.done $0x0  }
0x396: {  	s21 =	simm.s32 $0x680;
	[sflag:s28] =	ssyncadd.s32 $0xFFFFC000  }
0x397: {  	[tilespmem:s31], [sflag:$0x2] =	stream.indirect.gather [hbm4b:s6+s30], $0x80, s21, s30, $0xb8;
	[tilespmem:$0x1DC00] =	vst v63  }
0x398: {  	_ =	swait.ge [sflag:s0], $0x4000  }
0x399: {  	[sflag:s0] =	ssyncset.done $0x0  }
0x39a: {  	s21 =	simm.s32 $0xE00;
	[sflag:s0] =	ssyncadd.s32 $0xFFFFC000  }
0x39b: {  	[spmem:s3] =	stream.indirect.scatter.add.f32 [tilespmem:s26], [sflag:$0x3], $0x80, s21, s30, $0xb8;
	[tilespmem:$0x1DC00] =	vst v63  }
0x39c: {  	_ =	swait.ge [sflag:s28], $0x4000  }
0x39d: {  	[sflag:s28] =	ssyncset.done $0x0  }
0x39e: {  	s21 =	simm.s32 $0x700;
	[sflag:s28] =	ssyncadd.s32 $0xFFFFC000  }
0x39f: {  	[tilespmem:s26], [sflag:$0x1] =	stream.indirect.gather [hbm4b:s6+s30], $0x80, s21, s30, $0xb8;
	[tilespmem:$0x1DC00] =	vst v63  }
0x3a0: {  	_ =	swait.ge [sflag:s1], $0x4000  }
0x3a1: {  	[sflag:s1] =	ssyncset.done $0x0  }
0x3a2: {  	s21 =	simm.s32 $0xE80;
	[sflag:s1] =	ssyncadd.s32 $0xFFFFC000  }
0x3a3: {  	[spmem:s3] =	stream.indirect.scatter.add.f32 [tilespmem:s31], [sflag:$0x3], $0x80, s21, s30, $0xb8;
	[tilespmem:$0x1DC00] =	vst v63  }
0x3a4: {  	_ =	swait.ge [sflag:s28], $0x4000  }
0x3a5: {  	[sflag:s28] =	ssyncset.done $0x0  }
0x3a6: {  	s21 =	simm.s32 $0x780;
	[sflag:s28] =	ssyncadd.s32 $0xFFFFC000  }
0x3a7: {  	[tilespmem:s31], [sflag:$0x2] =	stream.indirect.gather [hbm4b:s6+s30], $0x80, s21, s30, $0xb8;
	[tilespmem:$0x1DC00] =	vst v63  }
0x3a8: {  	_ =	swait.ge [sflag:s0], $0x4000  }
0x3a9: {  	[sflag:s0] =	ssyncset.done $0x0  }
0x3aa: {  	s21 =	simm.s32 $0xF00;
	[sflag:s0] =	ssyncadd.s32 $0xFFFFC000  }
0x3ab: {  	[spmem:s3] =	stream.indirect.scatter.add.f32 [tilespmem:s26], [sflag:$0x3], $0x80, s21, s30, $0xb8;
	[tilespmem:$0x1DC00] =	vst v63  }
0x3ac: {  	_ =	swait.ge [sflag:s28], $0x4000  }
0x3ad: {  	[sflag:s28] =	ssyncset.done $0x0  }
0x3ae: {  	[sflag:s28] =	ssyncadd.s32 $0xFFFFC000  }
0x3af: {  	_ =	swait.ge [sflag:s1], $0x4000  }
.Ltmp5:
0x3b0: {  	[sflag:s1] =	ssyncset.done $0x0;
	(pc) =	sbr.rel @p3 .LBB2_6-.Ltmp5, $4  }
0x3b1: {  	s21 =	simm.s32 $0xF80;
	[sflag:s1] =	ssyncadd.s32 $0xFFFFC000  }
0x3b2: {  	[spmem:s3] =	stream.indirect.scatter.add.f32 [tilespmem:s31], [sflag:$0x3], $0x80, s21, s30, $0xb8;
	[tilespmem:$0x1DC00] =	vst v63  }
0x3b3: {  	_ =	swait.ge [sflag:s28], $0x4000  }
0x3b4: {  	s21 =	smov.u32 s20;
	[sflag:s28] =	ssyncset.done $0x0  }
.Ltmp6:
0x3b5: {  	_ = 	snop;
	(pc) =	sbr.rel .LBB2_7-.Ltmp6, $1  }
0x3b6: {  	_ =	sdelay $0x3  }
.LBB2_9:
0x3b7: {  	_ =	sfence.sel $0x180000  }
0x3b8: {  	[bflag:$0x0] =	sbarrier.arrive $0xFFFF  }
0x3b9: {  	_ =	strace $0x90000047  }
0x3ba: {  	s0 =	stileid.u32;
	[bflag:$0x2] =	sbarrier.arrive $0xFFFF  }
0x3bb: {  	p0 =	sne.s32 s0, $0x0;
	s0 =	rddreg [dreg:$0x4]  }
0x3bc: {  	s0 =	sadd.s32 @!p0 $0x100000, s0  }
0x3bd: {  	[sflag:s0] =	ssyncadd.tile.s32 @!p0 $0x1;
	_ =	shalt  }
.Lfunc_end2:
_tile_overlayer_lowered:
.L_overlay_start_2:
0x3be: {  	(tag) =	ssettag $0x2  }
0x3bf: {  	s0 =	rddreg [dreg:$0x0];
	s2 =	stileid.u32  }
0x3c0: {  	s1 =	rddreg [dreg:$0x1];
	p0 =	sne.s32 s2, $0x0  }
0x3c1: {  	s3 =	rddreg [dreg:$0x2];
	[bflag:$0x3] =	sbarrier.arrive $0xFFFF;
	s2 =	simm.s32 @!p0 $0x1C03  }
0x3c2: {  	[timem:s3], [sflag:s2] =	dma.local @!p0 [hbm:s0], s1  }
0x3c3: {  	s0 =	simm.s32 @!p0 $0x3  }
0x3c4: {  	_ =	swait.ge @!p0 [sflag:s0], s1  }
0x3c5: {  	s1 =	ssub.s32 @!p0 $0x0, s1;
	[sflag:s0] =	ssyncset.done @!p0 $0x0  }
0x3c6: {  	[sflag:s0] =	ssyncadd.s32 @!p0 s1  }
0x3c7: {  	[bflag:$0x3] =	sbarrier.arrive $0xFFFF  }
0x3c8: {  	_ =	shalt  }

</sc_bundles>
